<compile_context>
chip_gen: v7x
topology: tpu7x:2x2x1
jax: 0.10.2.dev20260603
libtpu: 0.0.44.dev20260713+nightly
codegen_flags: <defaults>
</compile_context>

<pallas_src>
import functools

import jax
import jax.numpy as jnp
from jax import lax
from jax.experimental import pallas as pl
from jax.experimental.pallas import tpu as pltpu
from jax.experimental.pallas import tpu_sc as plsc

_E = 64
_T = 16384
_IDX_N = 32768
_NC = 1
_NS = 16
_NW = _NC * _NS
_IPW = _IDX_N // _NW
_L = 16

_W = 128
_ROWS2 = _T * _E // _W
_GRID = 8
_BLK = _ROWS2 // _GRID


def _sc_hist_body(idx_hbm, out_hbm, idx_v, hist_v, out_v):
    wid = lax.axis_index("s") * _NC + lax.axis_index("c")
    pltpu.sync_copy(idx_hbm.at[pl.ds(wid * _IPW, _IPW)], idx_v)

    zero16 = jnp.zeros((_L,), jnp.float32)
    for i in range(_L * _E // _L):
        hist_v[pl.ds(i * _L, _L)] = zero16

    lane_base = lax.broadcasted_iota(jnp.int32, (_L,), 0) * _E
    ones = jnp.ones((_L,), jnp.float32)
    for i in range(_IPW // _L):
        v = idx_v[pl.ds(i * _L, _L)]
        plsc.addupdate_scatter(hist_v, [lane_base + v], ones)

    for j in range(_E // _L):
        acc = zero16
        for r in range(_L):
            acc = acc + hist_v[pl.ds(r * _E + j * _L, _L)]
        out_v[pl.ds(j * _L, _L)] = acc

    pltpu.sync_copy(out_v, out_hbm.at[pl.ds(wid * _E, _E)])


@functools.cache
def _sc_hist():
    return functools.partial(
        pl.kernel,
        mesh=plsc.VectorSubcoreMesh(
            core_axis_name="c", subcore_axis_name="s", num_cores=_NC),
        out_type=jax.ShapeDtypeStruct((_NW * _E,), jnp.float32),
        scratch_types=[
            pltpu.VMEM((_IPW,), jnp.int32),
            pltpu.VMEM((_L * _E,), jnp.float32),
            pltpu.VMEM((_E,), jnp.float32),
        ],
        compiler_params=pltpu.CompilerParams(needs_layout_passes=False),
    )(_sc_hist_body)


def _tc_body(x_ref, b_ref, hist_ref, loss_ref, acc_ref):
    step = pl.program_id(0)

    @pl.when(step == 0)
    def _init():
        acc_ref[...] = jnp.zeros_like(acc_ref)

    e = jnp.exp(x_ref[...])
    s = jnp.dot(e, b_ref[...], preferred_element_type=jnp.float32)
    acc_ref[...] += jnp.sum(e / s, axis=0, keepdims=True)

    @pl.when(step == _GRID - 1)
    def _fin():
        counts = jnp.sum(hist_ref[...], axis=0, keepdims=True)
        ps = acc_ref[...]
        fold = ps[:, :_E] + ps[:, _E:]
        loss_ref[0, 0] = jnp.sum(fold * counts) * (_E / (_T * _T))


def _tc_call(logits2, bdiag, hist):
    return pl.pallas_call(
        _tc_body,
        grid=(_GRID,),
        in_specs=[
            pl.BlockSpec((_BLK, _W), lambda i: (i, 0)),
            pl.BlockSpec((_W, _W), lambda i: (0, 0)),
            pl.BlockSpec((_NW, _E), lambda i: (0, 0)),
        ],
        out_specs=pl.BlockSpec(memory_space=pltpu.SMEM),
        out_shape=jax.ShapeDtypeStruct((1, 1), jnp.float32),
        scratch_shapes=[pltpu.VMEM((1, _W), jnp.float32)],
    )(logits2, bdiag, hist)


def kernel(router_logits, expert_indices):
    logits2 = router_logits.reshape(_ROWS2, _W)
    idx = expert_indices.astype(jnp.int32).reshape(_IDX_N)
    bdiag = jnp.kron(jnp.eye(2, dtype=jnp.float32), jnp.ones((_E, _E), jnp.float32))
    hist = _sc_hist()(idx).reshape(_NW, _E)
    return jnp.reshape(_tc_call(logits2, bdiag, hist), ())

# --- scband reference (transcript-rebuilt; emitter-appended) ---
"""Pipeline reference for scband-mo-eload-balancing-loss-23733989278045 (READ-ONLY COPY).

The authoritative reference and input builder live on the scoring server;
editing this copy changes nothing except your own understanding.
"""

import jax, jax.numpy as jnp
import numpy as np

NUM_EXPERTS = 64
TOP_K = 2

def setup_inputs(seed: int = 0) -> dict:
    key = jax.random.key(seed)
    k1, k2 = jax.random.split(key)
    router_logits = jax.random.normal(k1, (4, 4096, NUM_EXPERTS), dtype=jnp.float32)
    expert_indices = jax.random.randint(k2, (4, 4096, TOP_K), 0, NUM_EXPERTS, dtype=jnp.int64)
    return {"router_logits": router_logits, "expert_indices": expert_indices}

def reference(router_logits, expert_indices):
    expert_probs = jax.nn.softmax(router_logits, axis=-1)
    one_hot = jax.nn.one_hot(expert_indices, NUM_EXPERTS, dtype=jnp.float32)
    one_hot = jnp.sum(one_hot, axis=2)
    tokens_per_expert = jax.lax.stop_gradient(jnp.mean(one_hot, axis=(0, 1)))
    prob_per_expert = jnp.mean(expert_probs.astype(jnp.float32), axis=(0, 1))
    load_balance_loss = NUM_EXPERTS * jnp.sum(prob_per_expert * tokens_per_expert)
    return load_balance_loss

if __name__ == "__main__":
    import jax
    _d = setup_inputs()
    print(jax.jit(kernel)(*tuple(_d.values())))

</pallas_src>

<mosaic_0001>
#map = affine_map<(d0, d1) -> (0)>
module attributes {stable_mosaic.version = 14 : i64} {
  func.func @_sc_hist_body(%arg0: i32, %arg1: i32, %arg2: memref<32768xi32, #tpu.memory_space<hbm>>, %arg3: memref<1024xf32, #tpu.memory_space<hbm>>, %arg4: memref<2048xi32, #tpu.memory_space<vmem>>, %arg5: memref<1024xf32, #tpu.memory_space<vmem>>, %arg6: memref<64xf32, #tpu.memory_space<vmem>>) attributes {dimension_semantics = [#tpu.dimension_semantics<core_parallel>, #tpu.dimension_semantics<subcore_parallel>], iteration_bounds = array<i64: 1, 16>, scalar_prefetch = 0 : i64, scratch_operands = 3 : i64, tpu.core_type = #tpu.core_type<sc_vector_subcore>, window_params = [{transform_indices = #map}, {transform_indices = #map}]} {
    %mul3A = arith.constant 1 : i32
    %mul3A_0 = arith.muli %arg1, %mul3A : i32
    %add3A = arith.addi %mul3A_0, %arg0 : i32
    %mul3A_1 = arith.constant 2048 : i32
    %mul3A_2 = arith.muli %add3A, %mul3A_1 : i32
    "tpu.region"() ({
      %run_scoped3A = tpu.sem_alloc : memref<!tpu.dma_semaphore, #tpu.memory_space<semaphore_mem>>
      %dma_start3A = tpu.memref_slice %arg2[%mul3A_2] : memref<32768xi32, #tpu.memory_space<hbm>> -> memref<2048xi32, #tpu.memory_space<hbm>>
      %dma_start3A_721 = tpu.memref_slice %arg2[%mul3A_2] : memref<32768xi32, #tpu.memory_space<hbm>> -> memref<2048xi32, #tpu.memory_space<hbm>>
      tpu.enqueue_dma source(%dma_start3A_721 : memref<2048xi32, #tpu.memory_space<hbm>>) target(%arg4 : memref<2048xi32, #tpu.memory_space<vmem>>) target_semaphore(%run_scoped3A : memref<!tpu.dma_semaphore, #tpu.memory_space<semaphore_mem>>)
      %dma_wait3A = tpu.memref_slice %arg2[%mul3A_2] : memref<32768xi32, #tpu.memory_space<hbm>> -> memref<2048xi32, #tpu.memory_space<hbm>>
      %dma_wait3A_722 = tpu.memref_slice %arg2[%mul3A_2] : memref<32768xi32, #tpu.memory_space<hbm>> -> memref<2048xi32, #tpu.memory_space<hbm>>
      tpu.wait_dma2 semaphore(%run_scoped3A : memref<!tpu.dma_semaphore, #tpu.memory_space<semaphore_mem>>) src(%dma_wait3A_722 : memref<2048xi32, #tpu.memory_space<hbm>>) dst(%arg4 : memref<2048xi32, #tpu.memory_space<vmem>>)
      tpu.yield
    }) : () -> ()
    %broadcast_in_dim3A = arith.constant 0.000000e+00 : f32
    %broadcast_in_dim3A_3 = vector.broadcast %broadcast_in_dim3A : f32 to vector<16xf32>
    %swap3A = arith.constant 0 : index
    %swap3A_4 = tpu.vector_load %arg5[%swap3A] {strides = array<i32>} : memref<1024xf32, #tpu.memory_space<vmem>>, vector<16xf32>,
    tpu.vector_store %arg5[%swap3A], %broadcast_in_dim3A_3 {strides = array<i32>} : memref<1024xf32, #tpu.memory_space<vmem>>, vector<16xf32>,
    %swap3A_5 = arith.constant 16 : index
    %swap3A_6 = tpu.vector_load %arg5[%swap3A_5] {strides = array<i32>} : memref<1024xf32, #tpu.memory_space<vmem>>, vector<16xf32>,
    tpu.vector_store %arg5[%swap3A_5], %broadcast_in_dim3A_3 {strides = array<i32>} : memref<1024xf32, #tpu.memory_space<vmem>>, vector<16xf32>,
    %swap3A_7 = arith.constant 32 : index
    %swap3A_8 = tpu.vector_load %arg5[%swap3A_7] {strides = array<i32>} : memref<1024xf32, #tpu.memory_space<vmem>>, vector<16xf32>,
    tpu.vector_store %arg5[%swap3A_7], %broadcast_in_dim3A_3 {strides = array<i32>} : memref<1024xf32, #tpu.memory_space<vmem>>, vector<16xf32>,
    %swap3A_9 = arith.constant 48 : index
    %swap3A_10 = tpu.vector_load %arg5[%swap3A_9] {strides = array<i32>} : memref<1024xf32, #tpu.memory_space<vmem>>, vector<16xf32>,
    tpu.vector_store %arg5[%swap3A_9], %broadcast_in_dim3A_3 {strides = array<i32>} : memref<1024xf32, #tpu.memory_space<vmem>>, vector<16xf32>,
    %swap3A_11 = arith.constant 64 : index
    %swap3A_12 = tpu.vector_load %arg5[%swap3A_11] {strides = array<i32>} : memref<1024xf32, #tpu.memory_space<vmem>>, vector<16xf32>,
    tpu.vector_store %arg5[%swap3A_11], %broadcast_in_dim3A_3 {strides = array<i32>} : memref<1024xf32, #tpu.memory_space<vmem>>, vector<16xf32>,
    %swap3A_13 = arith.constant 80 : index
    %swap3A_14 = tpu.vector_load %arg5[%swap3A_13] {strides = array<i32>} : memref<1024xf32, #tpu.memory_space<vmem>>, vector<16xf32>,
    tpu.vector_store %arg5[%swap3A_13], %broadcast_in_dim3A_3 {strides = array<i32>} : memref<1024xf32, #tpu.memory_space<vmem>>, vector<16xf32>,
    %swap3A_15 = arith.constant 96 : index
    %swap3A_16 = tpu.vector_load %arg5[%swap3A_15] {strides = array<i32>} : memref<1024xf32, #tpu.memory_space<vmem>>, vector<16xf32>,
    tpu.vector_store %arg5[%swap3A_15], %broadcast_in_dim3A_3 {strides = array<i32>} : memref<1024xf32, #tpu.memory_space<vmem>>, vector<16xf32>,
    %swap3A_17 = arith.constant 112 : index
    %swap3A_18 = tpu.vector_load %arg5[%swap3A_17] {strides = array<i32>} : memref<1024xf32, #tpu.memory_space<vmem>>, vector<16xf32>,
    tpu.vector_store %arg5[%swap3A_17], %broadcast_in_dim3A_3 {strides = array<i32>} : memref<1024xf32, #tpu.memory_space<vmem>>, vector<16xf32>,
    %swap3A_19 = arith.constant 128 : index
    %swap3A_20 = tpu.vector_load %arg5[%swap3A_19] {strides = array<i32>} : memref<1024xf32, #tpu.memory_space<vmem>>, vector<16xf32>,
    tpu.vector_store %arg5[%swap3A_19], %broadcast_in_dim3A_3 {strides = array<i32>} : memref<1024xf32, #tpu.memory_space<vmem>>, vector<16xf32>,
    %swap3A_21 = arith.constant 144 : index
    %swap3A_22 = tpu.vector_load %arg5[%swap3A_21] {strides = array<i32>} : memref<1024xf32, #tpu.memory_space<vmem>>, vector<16xf32>,
    tpu.vector_store %arg5[%swap3A_21], %broadcast_in_dim3A_3 {strides = array<i32>} : memref<1024xf32, #tpu.memory_space<vmem>>, vector<16xf32>,
    %swap3A_23 = arith.constant 160 : index
    %swap3A_24 = tpu.vector_load %arg5[%swap3A_23] {strides = array<i32>} : memref<1024xf32, #tpu.memory_space<vmem>>, vector<16xf32>,
    tpu.vector_store %arg5[%swap3A_23], %broadcast_in_dim3A_3 {strides = array<i32>} : memref<1024xf32, #tpu.memory_space<vmem>>, vector<16xf32>,
    %swap3A_25 = arith.constant 176 : index
    %swap3A_26 = tpu.vector_load %arg5[%swap3A_25] {strides = array<i32>} : memref<1024xf32, #tpu.memory_space<vmem>>, vector<16xf32>,
    tpu.vector_store %arg5[%swap3A_25], %broadcast_in_dim3A_3 {strides = array<i32>} : memref<1024xf32, #tpu.memory_space<vmem>>, vector<16xf32>,
    %swap3A_27 = arith.constant 192 : index
    %swap3A_28 = tpu.vector_load %arg5[%swap3A_27] {strides = array<i32>} : memref<1024xf32, #tpu.memory_space<vmem>>, vector<16xf32>,
    tpu.vector_store %arg5[%swap3A_27], %broadcast_in_dim3A_3 {strides = array<i32>} : memref<1024xf32, #tpu.memory_space<vmem>>, vector<16xf32>,
    %swap3A_29 = arith.constant 208 : index
    %swap3A_30 = tpu.vector_load %arg5[%swap3A_29] {strides = array<i32>} : memref<1024xf32, #tpu.memory_space<vmem>>, vector<16xf32>,
    tpu.vector_store %arg5[%swap3A_29], %broadcast_in_dim3A_3 {strides = array<i32>} : memref<1024xf32, #tpu.memory_space<vmem>>, vector<16xf32>,
    %swap3A_31 = arith.constant 224 : index
    %swap3A_32 = tpu.vector_load %arg5[%swap3A_31] {strides = array<i32>} : memref<1024xf32, #tpu.memory_space<vmem>>, vector<16xf32>,
    tpu.vector_store %arg5[%swap3A_31], %broadcast_in_dim3A_3 {strides = array<i32>} : memref<1024xf32, #tpu.memory_space<vmem>>, vector<16xf32>,
    %swap3A_33 = arith.constant 240 : index
    %swap3A_34 = tpu.vector_load %arg5[%swap3A_33] {strides = array<i32>} : memref<1024xf32, #tpu.memory_space<vmem>>, vector<16xf32>,
    tpu.vector_store %arg5[%swap3A_33], %broadcast_in_dim3A_3 {strides = array<i32>} : memref<1024xf32, #tpu.memory_space<vmem>>, vector<16xf32>,
    %swap3A_35 = arith.constant 256 : index
    %swap3A_36 = tpu.vector_load %arg5[%swap3A_35] {strides = array<i32>} : memref<1024xf32, #tpu.memory_space<vmem>>, vector<16xf32>,
    tpu.vector_store %arg5[%swap3A_35], %broadcast_in_dim3A_3 {strides = array<i32>} : memref<1024xf32, #tpu.memory_space<vmem>>, vector<16xf32>,
    %swap3A_37 = arith.constant 272 : index
    %swap3A_38 = tpu.vector_load %arg5[%swap3A_37] {strides = array<i32>} : memref<1024xf32, #tpu.memory_space<vmem>>, vector<16xf32>,
    tpu.vector_store %arg5[%swap3A_37], %broadcast_in_dim3A_3 {strides = array<i32>} : memref<1024xf32, #tpu.memory_space<vmem>>, vector<16xf32>,
    %swap3A_39 = arith.constant 288 : index
    %swap3A_40 = tpu.vector_load %arg5[%swap3A_39] {strides = array<i32>} : memref<1024xf32, #tpu.memory_space<vmem>>, vector<16xf32>,
    tpu.vector_store %arg5[%swap3A_39], %broadcast_in_dim3A_3 {strides = array<i32>} : memref<1024xf32, #tpu.memory_space<vmem>>, vector<16xf32>,
    %swap3A_41 = arith.constant 304 : index
    %swap3A_42 = tpu.vector_load %arg5[%swap3A_41] {strides = array<i32>} : memref<1024xf32, #tpu.memory_space<vmem>>, vector<16xf32>,
    tpu.vector_store %arg5[%swap3A_41], %broadcast_in_dim3A_3 {strides = array<i32>} : memref<1024xf32, #tpu.memory_space<vmem>>, vector<16xf32>,
    %swap3A_43 = arith.constant 320 : index
    %swap3A_44 = tpu.vector_load %arg5[%swap3A_43] {strides = array<i32>} : memref<1024xf32, #tpu.memory_space<vmem>>, vector<16xf32>,
    tpu.vector_store %arg5[%swap3A_43], %broadcast_in_dim3A_3 {strides = array<i32>} : memref<1024xf32, #tpu.memory_space<vmem>>, vector<16xf32>,
    %swap3A_45 = arith.constant 336 : index
    %swap3A_46 = tpu.vector_load %arg5[%swap3A_45] {strides = array<i32>} : memref<1024xf32, #tpu.memory_space<vmem>>, vector<16xf32>,
    tpu.vector_store %arg5[%swap3A_45], %broadcast_in_dim3A_3 {strides = array<i32>} : memref<1024xf32, #tpu.memory_space<vmem>>, vector<16xf32>,
    %swap3A_47 = arith.constant 352 : index
    %swap3A_48 = tpu.vector_load %arg5[%swap3A_47] {strides = array<i32>} : memref<1024xf32, #tpu.memory_space<vmem>>, vector<16xf32>,
    tpu.vector_store %arg5[%swap3A_47], %broadcast_in_dim3A_3 {strides = array<i32>} : memref<1024xf32, #tpu.memory_space<vmem>>, vector<16xf32>,
    %swap3A_49 = arith.constant 368 : index
    %swap3A_50 = tpu.vector_load %arg5[%swap3A_49] {strides = array<i32>} : memref<1024xf32, #tpu.memory_space<vmem>>, vector<16xf32>,
    tpu.vector_store %arg5[%swap3A_49], %broadcast_in_dim3A_3 {strides = array<i32>} : memref<1024xf32, #tpu.memory_space<vmem>>, vector<16xf32>,
    %swap3A_51 = arith.constant 384 : index
    %swap3A_52 = tpu.vector_load %arg5[%swap3A_51] {strides = array<i32>} : memref<1024xf32, #tpu.memory_space<vmem>>, vector<16xf32>,
    tpu.vector_store %arg5[%swap3A_51], %broadcast_in_dim3A_3 {strides = array<i32>} : memref<1024xf32, #tpu.memory_space<vmem>>, vector<16xf32>,
    %swap3A_53 = arith.constant 400 : index
    %swap3A_54 = tpu.vector_load %arg5[%swap3A_53] {strides = array<i32>} : memref<1024xf32, #tpu.memory_space<vmem>>, vector<16xf32>,
    tpu.vector_store %arg5[%swap3A_53], %broadcast_in_dim3A_3 {strides = array<i32>} : memref<1024xf32, #tpu.memory_space<vmem>>, vector<16xf32>,
    %swap3A_55 = arith.constant 416 : index
    %swap3A_56 = tpu.vector_load %arg5[%swap3A_55] {strides = array<i32>} : memref<1024xf32, #tpu.memory_space<vmem>>, vector<16xf32>,
    tpu.vector_store %arg5[%swap3A_55], %broadcast_in_dim3A_3 {strides = array<i32>} : memref<1024xf32, #tpu.memory_space<vmem>>, vector<16xf32>,
    %swap3A_57 = arith.constant 432 : index
    %swap3A_58 = tpu.vector_load %arg5[%swap3A_57] {strides = array<i32>} : memref<1024xf32, #tpu.memory_space<vmem>>, vector<16xf32>,
    tpu.vector_store %arg5[%swap3A_57], %broadcast_in_dim3A_3 {strides = array<i32>} : memref<1024xf32, #tpu.memory_space<vmem>>, vector<16xf32>,
    %swap3A_59 = arith.constant 448 : index
    %swap3A_60 = tpu.vector_load %arg5[%swap3A_59] {strides = array<i32>} : memref<1024xf32, #tpu.memory_space<vmem>>, vector<16xf32>,
    tpu.vector_store %arg5[%swap3A_59], %broadcast_in_dim3A_3 {strides = array<i32>} : memref<1024xf32, #tpu.memory_space<vmem>>, vector<16xf32>,
    %swap3A_61 = arith.constant 464 : index
    %swap3A_62 = tpu.vector_load %arg5[%swap3A_61] {strides = array<i32>} : memref<1024xf32, #tpu.memory_space<vmem>>, vector<16xf32>,
    tpu.vector_store %arg5[%swap3A_61], %broadcast_in_dim3A_3 {strides = array<i32>} : memref<1024xf32, #tpu.memory_space<vmem>>, vector<16xf32>,
    %swap3A_63 = arith.constant 480 : index
    %swap3A_64 = tpu.vector_load %arg5[%swap3A_63] {strides = array<i32>} : memref<1024xf32, #tpu.memory_space<vmem>>, vector<16xf32>,
    tpu.vector_store %arg5[%swap3A_63], %broadcast_in_dim3A_3 {strides = array<i32>} : memref<1024xf32, #tpu.memory_space<vmem>>, vector<16xf32>,
    %swap3A_65 = arith.constant 496 : index
    %swap3A_66 = tpu.vector_load %arg5[%swap3A_65] {strides = array<i32>} : memref<1024xf32, #tpu.memory_space<vmem>>, vector<16xf32>,
    tpu.vector_store %arg5[%swap3A_65], %broadcast_in_dim3A_3 {strides = array<i32>} : memref<1024xf32, #tpu.memory_space<vmem>>, vector<16xf32>,
    %swap3A_67 = arith.constant 512 : index
    %swap3A_68 = tpu.vector_load %arg5[%swap3A_67] {strides = array<i32>} : memref<1024xf32, #tpu.memory_space<vmem>>, vector<16xf32>,
    tpu.vector_store %arg5[%swap3A_67], %broadcast_in_dim3A_3 {strides = array<i32>} : memref<1024xf32, #tpu.memory_space<vmem>>, vector<16xf32>,
    %swap3A_69 = arith.constant 528 : index
    %swap3A_70 = tpu.vector_load %arg5[%swap3A_69] {strides = array<i32>} : memref<1024xf32, #tpu.memory_space<vmem>>, vector<16xf32>,
    tpu.vector_store %arg5[%swap3A_69], %broadcast_in_dim3A_3 {strides = array<i32>} : memref<1024xf32, #tpu.memory_space<vmem>>, vector<16xf32>,
    %swap3A_71 = arith.constant 544 : index
    %swap3A_72 = tpu.vector_load %arg5[%swap3A_71] {strides = array<i32>} : memref<1024xf32, #tpu.memory_space<vmem>>, vector<16xf32>,
    tpu.vector_store %arg5[%swap3A_71], %broadcast_in_dim3A_3 {strides = array<i32>} : memref<1024xf32, #tpu.memory_space<vmem>>, vector<16xf32>,
    %swap3A_73 = arith.constant 560 : index
    %swap3A_74 = tpu.vector_load %arg5[%swap3A_73] {strides = array<i32>} : memref<1024xf32, #tpu.memory_space<vmem>>, vector<16xf32>,
    tpu.vector_store %arg5[%swap3A_73], %broadcast_in_dim3A_3 {strides = array<i32>} : memref<1024xf32, #tpu.memory_space<vmem>>, vector<16xf32>,
    %swap3A_75 = arith.constant 576 : index
    %swap3A_76 = tpu.vector_load %arg5[%swap3A_75] {strides = array<i32>} : memref<1024xf32, #tpu.memory_space<vmem>>, vector<16xf32>,
    tpu.vector_store %arg5[%swap3A_75], %broadcast_in_dim3A_3 {strides = array<i32>} : memref<1024xf32, #tpu.memory_space<vmem>>, vector<16xf32>,
    %swap3A_77 = arith.constant 592 : index
    %swap3A_78 = tpu.vector_load %arg5[%swap3A_77] {strides = array<i32>} : memref<1024xf32, #tpu.memory_space<vmem>>, vector<16xf32>,
    tpu.vector_store %arg5[%swap3A_77], %broadcast_in_dim3A_3 {strides = array<i32>} : memref<1024xf32, #tpu.memory_space<vmem>>, vector<16xf32>,
    %swap3A_79 = arith.constant 608 : index
    %swap3A_80 = tpu.vector_load %arg5[%swap3A_79] {strides = array<i32>} : memref<1024xf32, #tpu.memory_space<vmem>>, vector<16xf32>,
    tpu.vector_store %arg5[%swap3A_79], %broadcast_in_dim3A_3 {strides = array<i32>} : memref<1024xf32, #tpu.memory_space<vmem>>, vector<16xf32>,
    %swap3A_81 = arith.constant 624 : index
    %swap3A_82 = tpu.vector_load %arg5[%swap3A_81] {strides = array<i32>} : memref<1024xf32, #tpu.memory_space<vmem>>, vector<16xf32>,
    tpu.vector_store %arg5[%swap3A_81], %broadcast_in_dim3A_3 {strides = array<i32>} : memref<1024xf32, #tpu.memory_space<vmem>>, vector<16xf32>,
    %swap3A_83 = arith.constant 640 : index
    %swap3A_84 = tpu.vector_load %arg5[%swap3A_83] {strides = array<i32>} : memref<1024xf32, #tpu.memory_space<vmem>>, vector<16xf32>,
    tpu.vector_store %arg5[%swap3A_83], %broadcast_in_dim3A_3 {strides = array<i32>} : memref<1024xf32, #tpu.memory_space<vmem>>, vector<16xf32>,
    %swap3A_85 = arith.constant 656 : index
    %swap3A_86 = tpu.vector_load %arg5[%swap3A_85] {strides = array<i32>} : memref<1024xf32, #tpu.memory_space<vmem>>, vector<16xf32>,
    tpu.vector_store %arg5[%swap3A_85], %broadcast_in_dim3A_3 {strides = array<i32>} : memref<1024xf32, #tpu.memory_space<vmem>>, vector<16xf32>,
    %swap3A_87 = arith.constant 672 : index
    %swap3A_88 = tpu.vector_load %arg5[%swap3A_87] {strides = array<i32>} : memref<1024xf32, #tpu.memory_space<vmem>>, vector<16xf32>,
    tpu.vector_store %arg5[%swap3A_87], %broadcast_in_dim3A_3 {strides = array<i32>} : memref<1024xf32, #tpu.memory_space<vmem>>, vector<16xf32>,
    %swap3A_89 = arith.constant 688 : index
    %swap3A_90 = tpu.vector_load %arg5[%swap3A_89] {strides = array<i32>} : memref<1024xf32, #tpu.memory_space<vmem>>, vector<16xf32>,
    tpu.vector_store %arg5[%swap3A_89], %broadcast_in_dim3A_3 {strides = array<i32>} : memref<1024xf32, #tpu.memory_space<vmem>>, vector<16xf32>,
    %swap3A_91 = arith.constant 704 : index
    %swap3A_92 = tpu.vector_load %arg5[%swap3A_91] {strides = array<i32>} : memref<1024xf32, #tpu.memory_space<vmem>>, vector<16xf32>,
    tpu.vector_store %arg5[%swap3A_91], %broadcast_in_dim3A_3 {strides = array<i32>} : memref<1024xf32, #tpu.memory_space<vmem>>, vector<16xf32>,
    %swap3A_93 = arith.constant 720 : index
    %swap3A_94 = tpu.vector_load %arg5[%swap3A_93] {strides = array<i32>} : memref<1024xf32, #tpu.memory_space<vmem>>, vector<16xf32>,
    tpu.vector_store %arg5[%swap3A_93], %broadcast_in_dim3A_3 {strides = array<i32>} : memref<1024xf32, #tpu.memory_space<vmem>>, vector<16xf32>,
    %swap3A_95 = arith.constant 736 : index
    %swap3A_96 = tpu.vector_load %arg5[%swap3A_95] {strides = array<i32>} : memref<1024xf32, #tpu.memory_space<vmem>>, vector<16xf32>,
    tpu.vector_store %arg5[%swap3A_95], %broadcast_in_dim3A_3 {strides = array<i32>} : memref<1024xf32, #tpu.memory_space<vmem>>, vector<16xf32>,
    %swap3A_97 = arith.constant 752 : index
    %swap3A_98 = tpu.vector_load %arg5[%swap3A_97] {strides = array<i32>} : memref<1024xf32, #tpu.memory_space<vmem>>, vector<16xf32>,
    tpu.vector_store %arg5[%swap3A_97], %broadcast_in_dim3A_3 {strides = array<i32>} : memref<1024xf32, #tpu.memory_space<vmem>>, vector<16xf32>,
    %swap3A_99 = arith.constant 768 : index
    %swap3A_100 = tpu.vector_load %arg5[%swap3A_99] {strides = array<i32>} : memref<1024xf32, #tpu.memory_space<vmem>>, vector<16xf32>,
    tpu.vector_store %arg5[%swap3A_99], %broadcast_in_dim3A_3 {strides = array<i32>} : memref<1024xf32, #tpu.memory_space<vmem>>, vector<16xf32>,
    %swap3A_101 = arith.constant 784 : index
    %swap3A_102 = tpu.vector_load %arg5[%swap3A_101] {strides = array<i32>} : memref<1024xf32, #tpu.memory_space<vmem>>, vector<16xf32>,
    tpu.vector_store %arg5[%swap3A_101], %broadcast_in_dim3A_3 {strides = array<i32>} : memref<1024xf32, #tpu.memory_space<vmem>>, vector<16xf32>,
    %swap3A_103 = arith.constant 800 : index
    %swap3A_104 = tpu.vector_load %arg5[%swap3A_103] {strides = array<i32>} : memref<1024xf32, #tpu.memory_space<vmem>>, vector<16xf32>,
    tpu.vector_store %arg5[%swap3A_103], %broadcast_in_dim3A_3 {strides = array<i32>} : memref<1024xf32, #tpu.memory_space<vmem>>, vector<16xf32>,
    %swap3A_105 = arith.constant 816 : index
    %swap3A_106 = tpu.vector_load %arg5[%swap3A_105] {strides = array<i32>} : memref<1024xf32, #tpu.memory_space<vmem>>, vector<16xf32>,
    tpu.vector_store %arg5[%swap3A_105], %broadcast_in_dim3A_3 {strides = array<i32>} : memref<1024xf32, #tpu.memory_space<vmem>>, vector<16xf32>,
    %swap3A_107 = arith.constant 832 : index
    %swap3A_108 = tpu.vector_load %arg5[%swap3A_107] {strides = array<i32>} : memref<1024xf32, #tpu.memory_space<vmem>>, vector<16xf32>,
    tpu.vector_store %arg5[%swap3A_107], %broadcast_in_dim3A_3 {strides = array<i32>} : memref<1024xf32, #tpu.memory_space<vmem>>, vector<16xf32>,
    %swap3A_109 = arith.constant 848 : index
    %swap3A_110 = tpu.vector_load %arg5[%swap3A_109] {strides = array<i32>} : memref<1024xf32, #tpu.memory_space<vmem>>, vector<16xf32>,
    tpu.vector_store %arg5[%swap3A_109], %broadcast_in_dim3A_3 {strides = array<i32>} : memref<1024xf32, #tpu.memory_space<vmem>>, vector<16xf32>,
    %swap3A_111 = arith.constant 864 : index
    %swap3A_112 = tpu.vector_load %arg5[%swap3A_111] {strides = array<i32>} : memref<1024xf32, #tpu.memory_space<vmem>>, vector<16xf32>,
    tpu.vector_store %arg5[%swap3A_111], %broadcast_in_dim3A_3 {strides = array<i32>} : memref<1024xf32, #tpu.memory_space<vmem>>, vector<16xf32>,
    %swap3A_113 = arith.constant 880 : index
    %swap3A_114 = tpu.vector_load %arg5[%swap3A_113] {strides = array<i32>} : memref<1024xf32, #tpu.memory_space<vmem>>, vector<16xf32>,
    tpu.vector_store %arg5[%swap3A_113], %broadcast_in_dim3A_3 {strides = array<i32>} : memref<1024xf32, #tpu.memory_space<vmem>>, vector<16xf32>,
    %swap3A_115 = arith.constant 896 : index
    %swap3A_116 = tpu.vector_load %arg5[%swap3A_115] {strides = array<i32>} : memref<1024xf32, #tpu.memory_space<vmem>>, vector<16xf32>,
    tpu.vector_store %arg5[%swap3A_115], %broadcast_in_dim3A_3 {strides = array<i32>} : memref<1024xf32, #tpu.memory_space<vmem>>, vector<16xf32>,
    %swap3A_117 = arith.constant 912 : index
    %swap3A_118 = tpu.vector_load %arg5[%swap3A_117] {strides = array<i32>} : memref<1024xf32, #tpu.memory_space<vmem>>, vector<16xf32>,
    tpu.vector_store %arg5[%swap3A_117], %broadcast_in_dim3A_3 {strides = array<i32>} : memref<1024xf32, #tpu.memory_space<vmem>>, vector<16xf32>,
    %swap3A_119 = arith.constant 928 : index
    %swap3A_120 = tpu.vector_load %arg5[%swap3A_119] {strides = array<i32>} : memref<1024xf32, #tpu.memory_space<vmem>>, vector<16xf32>,
    tpu.vector_store %arg5[%swap3A_119], %broadcast_in_dim3A_3 {strides = array<i32>} : memref<1024xf32, #tpu.memory_space<vmem>>, vector<16xf32>,
    %swap3A_121 = arith.constant 944 : index
    %swap3A_122 = tpu.vector_load %arg5[%swap3A_121] {strides = array<i32>} : memref<1024xf32, #tpu.memory_space<vmem>>, vector<16xf32>,
    tpu.vector_store %arg5[%swap3A_121], %broadcast_in_dim3A_3 {strides = array<i32>} : memref<1024xf32, #tpu.memory_space<vmem>>, vector<16xf32>,
    %swap3A_123 = arith.constant 960 : index
    %swap3A_124 = tpu.vector_load %arg5[%swap3A_123] {strides = array<i32>} : memref<1024xf32, #tpu.memory_space<vmem>>, vector<16xf32>,
    tpu.vector_store %arg5[%swap3A_123], %broadcast_in_dim3A_3 {strides = array<i32>} : memref<1024xf32, #tpu.memory_space<vmem>>, vector<16xf32>,
    %swap3A_125 = arith.constant 976 : index
    %swap3A_126 = tpu.vector_load %arg5[%swap3A_125] {strides = array<i32>} : memref<1024xf32, #tpu.memory_space<vmem>>, vector<16xf32>,
    tpu.vector_store %arg5[%swap3A_125], %broadcast_in_dim3A_3 {strides = array<i32>} : memref<1024xf32, #tpu.memory_space<vmem>>, vector<16xf32>,
    %swap3A_127 = arith.constant 992 : index
    %swap3A_128 = tpu.vector_load %arg5[%swap3A_127] {strides = array<i32>} : memref<1024xf32, #tpu.memory_space<vmem>>, vector<16xf32>,
    tpu.vector_store %arg5[%swap3A_127], %broadcast_in_dim3A_3 {strides = array<i32>} : memref<1024xf32, #tpu.memory_space<vmem>>, vector<16xf32>,
    %swap3A_129 = arith.constant 1008 : index
    %swap3A_130 = tpu.vector_load %arg5[%swap3A_129] {strides = array<i32>} : memref<1024xf32, #tpu.memory_space<vmem>>, vector<16xf32>,
    tpu.vector_store %arg5[%swap3A_129], %broadcast_in_dim3A_3 {strides = array<i32>} : memref<1024xf32, #tpu.memory_space<vmem>>, vector<16xf32>,
    %iota3A = tpu.iota {dimensions = array<i32: 0>} : vector<16xi32>
    %mul3A_131 = arith.constant 64 : i32
    %mul3A_132 = vector.broadcast %mul3A_131 : i32 to vector<16xi32>
    %mul3A_133 = arith.muli %iota3A, %mul3A_132 : vector<16xi32>
    %broadcast_in_dim3A_134 = arith.constant 1.000000e+00 : f32
    %broadcast_in_dim3A_135 = vector.broadcast %broadcast_in_dim3A_134 : f32 to vector<16xf32>
    %get3A = arith.constant 0 : index
    %get3A_136 = tpu.vector_load %arg4[%get3A] {strides = array<i32>} : memref<2048xi32, #tpu.memory_space<vmem>>, vector<16xi32>,
    %add3A_137 = arith.addi %mul3A_133, %get3A_136 : vector<16xi32>
    tpu.vector_store_idx %arg5[%add3A_137], %broadcast_in_dim3A_135 {add = true} : memref<1024xf32, #tpu.memory_space<vmem>>[vector<16xi32>], vector<16xf32>,
    %get3A_138 = arith.constant 16 : index
    %get3A_139 = tpu.vector_load %arg4[%get3A_138] {strides = array<i32>} : memref<2048xi32, #tpu.memory_space<vmem>>, vector<16xi32>,
    %add3A_140 = arith.addi %mul3A_133, %get3A_139 : vector<16xi32>
    tpu.vector_store_idx %arg5[%add3A_140], %broadcast_in_dim3A_135 {add = true} : memref<1024xf32, #tpu.memory_space<vmem>>[vector<16xi32>], vector<16xf32>,
    %get3A_141 = arith.constant 32 : index
    %get3A_142 = tpu.vector_load %arg4[%get3A_141] {strides = array<i32>} : memref<2048xi32, #tpu.memory_space<vmem>>, vector<16xi32>,
    %add3A_143 = arith.addi %mul3A_133, %get3A_142 : vector<16xi32>
    tpu.vector_store_idx %arg5[%add3A_143], %broadcast_in_dim3A_135 {add = true} : memref<1024xf32, #tpu.memory_space<vmem>>[vector<16xi32>], vector<16xf32>,
    %get3A_144 = arith.constant 48 : index
    %get3A_145 = tpu.vector_load %arg4[%get3A_144] {strides = array<i32>} : memref<2048xi32, #tpu.memory_space<vmem>>, vector<16xi32>,
    %add3A_146 = arith.addi %mul3A_133, %get3A_145 : vector<16xi32>
    tpu.vector_store_idx %arg5[%add3A_146], %broadcast_in_dim3A_135 {add = true} : memref<1024xf32, #tpu.memory_space<vmem>>[vector<16xi32>], vector<16xf32>,
    %get3A_147 = arith.constant 64 : index
    %get3A_148 = tpu.vector_load %arg4[%get3A_147] {strides = array<i32>} : memref<2048xi32, #tpu.memory_space<vmem>>, vector<16xi32>,
    %add3A_149 = arith.addi %mul3A_133, %get3A_148 : vector<16xi32>
    tpu.vector_store_idx %arg5[%add3A_149], %broadcast_in_dim3A_135 {add = true} : memref<1024xf32, #tpu.memory_space<vmem>>[vector<16xi32>], vector<16xf32>,
    %get3A_150 = arith.constant 80 : index
    %get3A_151 = tpu.vector_load %arg4[%get3A_150] {strides = array<i32>} : memref<2048xi32, #tpu.memory_space<vmem>>, vector<16xi32>,
    %add3A_152 = arith.addi %mul3A_133, %get3A_151 : vector<16xi32>
    tpu.vector_store_idx %arg5[%add3A_152], %broadcast_in_dim3A_135 {add = true} : memref<1024xf32, #tpu.memory_space<vmem>>[vector<16xi32>], vector<16xf32>,
    %get3A_153 = arith.constant 96 : index
    %get3A_154 = tpu.vector_load %arg4[%get3A_153] {strides = array<i32>} : memref<2048xi32, #tpu.memory_space<vmem>>, vector<16xi32>,
    %add3A_155 = arith.addi %mul3A_133, %get3A_154 : vector<16xi32>
    tpu.vector_store_idx %arg5[%add3A_155], %broadcast_in_dim3A_135 {add = true} : memref<1024xf32, #tpu.memory_space<vmem>>[vector<16xi32>], vector<16xf32>,
    %get3A_156 = arith.constant 112 : index
    %get3A_157 = tpu.vector_load %arg4[%get3A_156] {strides = array<i32>} : memref<2048xi32, #tpu.memory_space<vmem>>, vector<16xi32>,
    %add3A_158 = arith.addi %mul3A_133, %get3A_157 : vector<16xi32>
    tpu.vector_store_idx %arg5[%add3A_158], %broadcast_in_dim3A_135 {add = true} : memref<1024xf32, #tpu.memory_space<vmem>>[vector<16xi32>], vector<16xf32>,
    %get3A_159 = arith.constant 128 : index
    %get3A_160 = tpu.vector_load %arg4[%get3A_159] {strides = array<i32>} : memref<2048xi32, #tpu.memory_space<vmem>>, vector<16xi32>,
    %add3A_161 = arith.addi %mul3A_133, %get3A_160 : vector<16xi32>
    tpu.vector_store_idx %arg5[%add3A_161], %broadcast_in_dim3A_135 {add = true} : memref<1024xf32, #tpu.memory_space<vmem>>[vector<16xi32>], vector<16xf32>,
    %get3A_162 = arith.constant 144 : index
    %get3A_163 = tpu.vector_load %arg4[%get3A_162] {strides = array<i32>} : memref<2048xi32, #tpu.memory_space<vmem>>, vector<16xi32>,
    %add3A_164 = arith.addi %mul3A_133, %get3A_163 : vector<16xi32>
    tpu.vector_store_idx %arg5[%add3A_164], %broadcast_in_dim3A_135 {add = true} : memref<1024xf32, #tpu.memory_space<vmem>>[vector<16xi32>], vector<16xf32>,
    %get3A_165 = arith.constant 160 : index
    %get3A_166 = tpu.vector_load %arg4[%get3A_165] {strides = array<i32>} : memref<2048xi32, #tpu.memory_space<vmem>>, vector<16xi32>,
    %add3A_167 = arith.addi %mul3A_133, %get3A_166 : vector<16xi32>
    tpu.vector_store_idx %arg5[%add3A_167], %broadcast_in_dim3A_135 {add = true} : memref<1024xf32, #tpu.memory_space<vmem>>[vector<16xi32>], vector<16xf32>,
    %get3A_168 = arith.constant 176 : index
    %get3A_169 = tpu.vector_load %arg4[%get3A_168] {strides = array<i32>} : memref<2048xi32, #tpu.memory_space<vmem>>, vector<16xi32>,
    %add3A_170 = arith.addi %mul3A_133, %get3A_169 : vector<16xi32>
    tpu.vector_store_idx %arg5[%add3A_170], %broadcast_in_dim3A_135 {add = true} : memref<1024xf32, #tpu.memory_space<vmem>>[vector<16xi32>], vector<16xf32>,
    %get3A_171 = arith.constant 192 : index
    %get3A_172 = tpu.vector_load %arg4[%get3A_171] {strides = array<i32>} : memref<2048xi32, #tpu.memory_space<vmem>>, vector<16xi32>,
    %add3A_173 = arith.addi %mul3A_133, %get3A_172 : vector<16xi32>
    tpu.vector_store_idx %arg5[%add3A_173], %broadcast_in_dim3A_135 {add = true} : memref<1024xf32, #tpu.memory_space<vmem>>[vector<16xi32>], vector<16xf32>,
    %get3A_174 = arith.constant 208 : index
    %get3A_175 = tpu.vector_load %arg4[%get3A_174] {strides = array<i32>} : memref<2048xi32, #tpu.memory_space<vmem>>, vector<16xi32>,
    %add3A_176 = arith.addi %mul3A_133, %get3A_175 : vector<16xi32>
    tpu.vector_store_idx %arg5[%add3A_176], %broadcast_in_dim3A_135 {add = true} : memref<1024xf32, #tpu.memory_space<vmem>>[vector<16xi32>], vector<16xf32>,
    %get3A_177 = arith.constant 224 : index
    %get3A_178 = tpu.vector_load %arg4[%get3A_177] {strides = array<i32>} : memref<2048xi32, #tpu.memory_space<vmem>>, vector<16xi32>,
    %add3A_179 = arith.addi %mul3A_133, %get3A_178 : vector<16xi32>
    tpu.vector_store_idx %arg5[%add3A_179], %broadcast_in_dim3A_135 {add = true} : memref<1024xf32, #tpu.memory_space<vmem>>[vector<16xi32>], vector<16xf32>,
    %get3A_180 = arith.constant 240 : index
    %get3A_181 = tpu.vector_load %arg4[%get3A_180] {strides = array<i32>} : memref<2048xi32, #tpu.memory_space<vmem>>, vector<16xi32>,
    %add3A_182 = arith.addi %mul3A_133, %get3A_181 : vector<16xi32>
    tpu.vector_store_idx %arg5[%add3A_182], %broadcast_in_dim3A_135 {add = true} : memref<1024xf32, #tpu.memory_space<vmem>>[vector<16xi32>], vector<16xf32>,
    %get3A_183 = arith.constant 256 : index
    %get3A_184 = tpu.vector_load %arg4[%get3A_183] {strides = array<i32>} : memref<2048xi32, #tpu.memory_space<vmem>>, vector<16xi32>,
    %add3A_185 = arith.addi %mul3A_133, %get3A_184 : vector<16xi32>
    tpu.vector_store_idx %arg5[%add3A_185], %broadcast_in_dim3A_135 {add = true} : memref<1024xf32, #tpu.memory_space<vmem>>[vector<16xi32>], vector<16xf32>,
    %get3A_186 = arith.constant 272 : index
    %get3A_187 = tpu.vector_load %arg4[%get3A_186] {strides = array<i32>} : memref<2048xi32, #tpu.memory_space<vmem>>, vector<16xi32>,
    %add3A_188 = arith.addi %mul3A_133, %get3A_187 : vector<16xi32>
    tpu.vector_store_idx %arg5[%add3A_188], %broadcast_in_dim3A_135 {add = true} : memref<1024xf32, #tpu.memory_space<vmem>>[vector<16xi32>], vector<16xf32>,
    %get3A_189 = arith.constant 288 : index
    %get3A_190 = tpu.vector_load %arg4[%get3A_189] {strides = array<i32>} : memref<2048xi32, #tpu.memory_space<vmem>>, vector<16xi32>,
    %add3A_191 = arith.addi %mul3A_133, %get3A_190 : vector<16xi32>
    tpu.vector_store_idx %arg5[%add3A_191], %broadcast_in_dim3A_135 {add = true} : memref<1024xf32, #tpu.memory_space<vmem>>[vector<16xi32>], vector<16xf32>,
    %get3A_192 = arith.constant 304 : index
    %get3A_193 = tpu.vector_load %arg4[%get3A_192] {strides = array<i32>} : memref<2048xi32, #tpu.memory_space<vmem>>, vector<16xi32>,
    %add3A_194 = arith.addi %mul3A_133, %get3A_193 : vector<16xi32>
    tpu.vector_store_idx %arg5[%add3A_194], %broadcast_in_dim3A_135 {add = true} : memref<1024xf32, #tpu.memory_space<vmem>>[vector<16xi32>], vector<16xf32>,
    %get3A_195 = arith.constant 320 : index
    %get3A_196 = tpu.vector_load %arg4[%get3A_195] {strides = array<i32>} : memref<2048xi32, #tpu.memory_space<vmem>>, vector<16xi32>,
    %add3A_197 = arith.addi %mul3A_133, %get3A_196 : vector<16xi32>
    tpu.vector_store_idx %arg5[%add3A_197], %broadcast_in_dim3A_135 {add = true} : memref<1024xf32, #tpu.memory_space<vmem>>[vector<16xi32>], vector<16xf32>,
    %get3A_198 = arith.constant 336 : index
    %get3A_199 = tpu.vector_load %arg4[%get3A_198] {strides = array<i32>} : memref<2048xi32, #tpu.memory_space<vmem>>, vector<16xi32>,
    %add3A_200 = arith.addi %mul3A_133, %get3A_199 : vector<16xi32>
    tpu.vector_store_idx %arg5[%add3A_200], %broadcast_in_dim3A_135 {add = true} : memref<1024xf32, #tpu.memory_space<vmem>>[vector<16xi32>], vector<16xf32>,
    %get3A_201 = arith.constant 352 : index
    %get3A_202 = tpu.vector_load %arg4[%get3A_201] {strides = array<i32>} : memref<2048xi32, #tpu.memory_space<vmem>>, vector<16xi32>,
    %add3A_203 = arith.addi %mul3A_133, %get3A_202 : vector<16xi32>
    tpu.vector_store_idx %arg5[%add3A_203], %broadcast_in_dim3A_135 {add = true} : memref<1024xf32, #tpu.memory_space<vmem>>[vector<16xi32>], vector<16xf32>,
    %get3A_204 = arith.constant 368 : index
    %get3A_205 = tpu.vector_load %arg4[%get3A_204] {strides = array<i32>} : memref<2048xi32, #tpu.memory_space<vmem>>, vector<16xi32>,
    %add3A_206 = arith.addi %mul3A_133, %get3A_205 : vector<16xi32>
    tpu.vector_store_idx %arg5[%add3A_206], %broadcast_in_dim3A_135 {add = true} : memref<1024xf32, #tpu.memory_space<vmem>>[vector<16xi32>], vector<16xf32>,
    %get3A_207 = arith.constant 384 : index
    %get3A_208 = tpu.vector_load %arg4[%get3A_207] {strides = array<i32>} : memref<2048xi32, #tpu.memory_space<vmem>>, vector<16xi32>,
    %add3A_209 = arith.addi %mul3A_133, %get3A_208 : vector<16xi32>
    tpu.vector_store_idx %arg5[%add3A_209], %broadcast_in_dim3A_135 {add = true} : memref<1024xf32, #tpu.memory_space<vmem>>[vector<16xi32>], vector<16xf32>,
    %get3A_210 = arith.constant 400 : index
    %get3A_211 = tpu.vector_load %arg4[%get3A_210] {strides = array<i32>} : memref<2048xi32, #tpu.memory_space<vmem>>, vector<16xi32>,
    %add3A_212 = arith.addi %mul3A_133, %get3A_211 : vector<16xi32>
    tpu.vector_store_idx %arg5[%add3A_212], %broadcast_in_dim3A_135 {add = true} : memref<1024xf32, #tpu.memory_space<vmem>>[vector<16xi32>], vector<16xf32>,
    %get3A_213 = arith.constant 416 : index
    %get3A_214 = tpu.vector_load %arg4[%get3A_213] {strides = array<i32>} : memref<2048xi32, #tpu.memory_space<vmem>>, vector<16xi32>,
    %add3A_215 = arith.addi %mul3A_133, %get3A_214 : vector<16xi32>
    tpu.vector_store_idx %arg5[%add3A_215], %broadcast_in_dim3A_135 {add = true} : memref<1024xf32, #tpu.memory_space<vmem>>[vector<16xi32>], vector<16xf32>,
    %get3A_216 = arith.constant 432 : index
    %get3A_217 = tpu.vector_load %arg4[%get3A_216] {strides = array<i32>} : memref<2048xi32, #tpu.memory_space<vmem>>, vector<16xi32>,
    %add3A_218 = arith.addi %mul3A_133, %get3A_217 : vector<16xi32>
    tpu.vector_store_idx %arg5[%add3A_218], %broadcast_in_dim3A_135 {add = true} : memref<1024xf32, #tpu.memory_space<vmem>>[vector<16xi32>], vector<16xf32>,
    %get3A_219 = arith.constant 448 : index
    %get3A_220 = tpu.vector_load %arg4[%get3A_219] {strides = array<i32>} : memref<2048xi32, #tpu.memory_space<vmem>>, vector<16xi32>,
    %add3A_221 = arith.addi %mul3A_133, %get3A_220 : vector<16xi32>
    tpu.vector_store_idx %arg5[%add3A_221], %broadcast_in_dim3A_135 {add = true} : memref<1024xf32, #tpu.memory_space<vmem>>[vector<16xi32>], vector<16xf32>,
    %get3A_222 = arith.constant 464 : index
    %get3A_223 = tpu.vector_load %arg4[%get3A_222] {strides = array<i32>} : memref<2048xi32, #tpu.memory_space<vmem>>, vector<16xi32>,
    %add3A_224 = arith.addi %mul3A_133, %get3A_223 : vector<16xi32>
    tpu.vector_store_idx %arg5[%add3A_224], %broadcast_in_dim3A_135 {add = true} : memref<1024xf32, #tpu.memory_space<vmem>>[vector<16xi32>], vector<16xf32>,
    %get3A_225 = arith.constant 480 : index
    %get3A_226 = tpu.vector_load %arg4[%get3A_225] {strides = array<i32>} : memref<2048xi32, #tpu.memory_space<vmem>>, vector<16xi32>,
    %add3A_227 = arith.addi %mul3A_133, %get3A_226 : vector<16xi32>
    tpu.vector_store_idx %arg5[%add3A_227], %broadcast_in_dim3A_135 {add = true} : memref<1024xf32, #tpu.memory_space<vmem>>[vector<16xi32>], vector<16xf32>,
    %get3A_228 = arith.constant 496 : index
    %get3A_229 = tpu.vector_load %arg4[%get3A_228] {strides = array<i32>} : memref<2048xi32, #tpu.memory_space<vmem>>, vector<16xi32>,
    %add3A_230 = arith.addi %mul3A_133, %get3A_229 : vector<16xi32>
    tpu.vector_store_idx %arg5[%add3A_230], %broadcast_in_dim3A_135 {add = true} : memref<1024xf32, #tpu.memory_space<vmem>>[vector<16xi32>], vector<16xf32>,
    %get3A_231 = arith.constant 512 : index
    %get3A_232 = tpu.vector_load %arg4[%get3A_231] {strides = array<i32>} : memref<2048xi32, #tpu.memory_space<vmem>>, vector<16xi32>,
    %add3A_233 = arith.addi %mul3A_133, %get3A_232 : vector<16xi32>
    tpu.vector_store_idx %arg5[%add3A_233], %broadcast_in_dim3A_135 {add = true} : memref<1024xf32, #tpu.memory_space<vmem>>[vector<16xi32>], vector<16xf32>,
    %get3A_234 = arith.constant 528 : index
    %get3A_235 = tpu.vector_load %arg4[%get3A_234] {strides = array<i32>} : memref<2048xi32, #tpu.memory_space<vmem>>, vector<16xi32>,
    %add3A_236 = arith.addi %mul3A_133, %get3A_235 : vector<16xi32>
    tpu.vector_store_idx %arg5[%add3A_236], %broadcast_in_dim3A_135 {add = true} : memref<1024xf32, #tpu.memory_space<vmem>>[vector<16xi32>], vector<16xf32>,
    %get3A_237 = arith.constant 544 : index
    %get3A_238 = tpu.vector_load %arg4[%get3A_237] {strides = array<i32>} : memref<2048xi32, #tpu.memory_space<vmem>>, vector<16xi32>,
    %add3A_239 = arith.addi %mul3A_133, %get3A_238 : vector<16xi32>
    tpu.vector_store_idx %arg5[%add3A_239], %broadcast_in_dim3A_135 {add = true} : memref<1024xf32, #tpu.memory_space<vmem>>[vector<16xi32>], vector<16xf32>,
    %get3A_240 = arith.constant 560 : index
    %get3A_241 = tpu.vector_load %arg4[%get3A_240] {strides = array<i32>} : memref<2048xi32, #tpu.memory_space<vmem>>, vector<16xi32>,
    %add3A_242 = arith.addi %mul3A_133, %get3A_241 : vector<16xi32>
    tpu.vector_store_idx %arg5[%add3A_242], %broadcast_in_dim3A_135 {add = true} : memref<1024xf32, #tpu.memory_space<vmem>>[vector<16xi32>], vector<16xf32>,
    %get3A_243 = arith.constant 576 : index
    %get3A_244 = tpu.vector_load %arg4[%get3A_243] {strides = array<i32>} : memref<2048xi32, #tpu.memory_space<vmem>>, vector<16xi32>,
    %add3A_245 = arith.addi %mul3A_133, %get3A_244 : vector<16xi32>
    tpu.vector_store_idx %arg5[%add3A_245], %broadcast_in_dim3A_135 {add = true} : memref<1024xf32, #tpu.memory_space<vmem>>[vector<16xi32>], vector<16xf32>,
    %get3A_246 = arith.constant 592 : index
    %get3A_247 = tpu.vector_load %arg4[%get3A_246] {strides = array<i32>} : memref<2048xi32, #tpu.memory_space<vmem>>, vector<16xi32>,
    %add3A_248 = arith.addi %mul3A_133, %get3A_247 : vector<16xi32>
    tpu.vector_store_idx %arg5[%add3A_248], %broadcast_in_dim3A_135 {add = true} : memref<1024xf32, #tpu.memory_space<vmem>>[vector<16xi32>], vector<16xf32>,
    %get3A_249 = arith.constant 608 : index
    %get3A_250 = tpu.vector_load %arg4[%get3A_249] {strides = array<i32>} : memref<2048xi32, #tpu.memory_space<vmem>>, vector<16xi32>,
    %add3A_251 = arith.addi %mul3A_133, %get3A_250 : vector<16xi32>
    tpu.vector_store_idx %arg5[%add3A_251], %broadcast_in_dim3A_135 {add = true} : memref<1024xf32, #tpu.memory_space<vmem>>[vector<16xi32>], vector<16xf32>,
    %get3A_252 = arith.constant 624 : index
    %get3A_253 = tpu.vector_load %arg4[%get3A_252] {strides = array<i32>} : memref<2048xi32, #tpu.memory_space<vmem>>, vector<16xi32>,
    %add3A_254 = arith.addi %mul3A_133, %get3A_253 : vector<16xi32>
    tpu.vector_store_idx %arg5[%add3A_254], %broadcast_in_dim3A_135 {add = true} : memref<1024xf32, #tpu.memory_space<vmem>>[vector<16xi32>], vector<16xf32>,
    %get3A_255 = arith.constant 640 : index
    %get3A_256 = tpu.vector_load %arg4[%get3A_255] {strides = array<i32>} : memref<2048xi32, #tpu.memory_space<vmem>>, vector<16xi32>,
    %add3A_257 = arith.addi %mul3A_133, %get3A_256 : vector<16xi32>
    tpu.vector_store_idx %arg5[%add3A_257], %broadcast_in_dim3A_135 {add = true} : memref<1024xf32, #tpu.memory_space<vmem>>[vector<16xi32>], vector<16xf32>,
    %get3A_258 = arith.constant 656 : index
    %get3A_259 = tpu.vector_load %arg4[%get3A_258] {strides = array<i32>} : memref<2048xi32, #tpu.memory_space<vmem>>, vector<16xi32>,
    %add3A_260 = arith.addi %mul3A_133, %get3A_259 : vector<16xi32>
    tpu.vector_store_idx %arg5[%add3A_260], %broadcast_in_dim3A_135 {add = true} : memref<1024xf32, #tpu.memory_space<vmem>>[vector<16xi32>], vector<16xf32>,
    %get3A_261 = arith.constant 672 : index
    %get3A_262 = tpu.vector_load %arg4[%get3A_261] {strides = array<i32>} : memref<2048xi32, #tpu.memory_space<vmem>>, vector<16xi32>,
    %add3A_263 = arith.addi %mul3A_133, %get3A_262 : vector<16xi32>
    tpu.vector_store_idx %arg5[%add3A_263], %broadcast_in_dim3A_135 {add = true} : memref<1024xf32, #tpu.memory_space<vmem>>[vector<16xi32>], vector<16xf32>,
    %get3A_264 = arith.constant 688 : index
    %get3A_265 = tpu.vector_load %arg4[%get3A_264] {strides = array<i32>} : memref<2048xi32, #tpu.memory_space<vmem>>, vector<16xi32>,
    %add3A_266 = arith.addi %mul3A_133, %get3A_265 : vector<16xi32>
    tpu.vector_store_idx %arg5[%add3A_266], %broadcast_in_dim3A_135 {add = true} : memref<1024xf32, #tpu.memory_space<vmem>>[vector<16xi32>], vector<16xf32>,
    %get3A_267 = arith.constant 704 : index
    %get3A_268 = tpu.vector_load %arg4[%get3A_267] {strides = array<i32>} : memref<2048xi32, #tpu.memory_space<vmem>>, vector<16xi32>,
    %add3A_269 = arith.addi %mul3A_133, %get3A_268 : vector<16xi32>
    tpu.vector_store_idx %arg5[%add3A_269], %broadcast_in_dim3A_135 {add = true} : memref<1024xf32, #tpu.memory_space<vmem>>[vector<16xi32>], vector<16xf32>,
    %get3A_270 = arith.constant 720 : index
    %get3A_271 = tpu.vector_load %arg4[%get3A_270] {strides = array<i32>} : memref<2048xi32, #tpu.memory_space<vmem>>, vector<16xi32>,
    %add3A_272 = arith.addi %mul3A_133, %get3A_271 : vector<16xi32>
    tpu.vector_store_idx %arg5[%add3A_272], %broadcast_in_dim3A_135 {add = true} : memref<1024xf32, #tpu.memory_space<vmem>>[vector<16xi32>], vector<16xf32>,
    %get3A_273 = arith.constant 736 : index
    %get3A_274 = tpu.vector_load %arg4[%get3A_273] {strides = array<i32>} : memref<2048xi32, #tpu.memory_space<vmem>>, vector<16xi32>,
    %add3A_275 = arith.addi %mul3A_133, %get3A_274 : vector<16xi32>
    tpu.vector_store_idx %arg5[%add3A_275], %broadcast_in_dim3A_135 {add = true} : memref<1024xf32, #tpu.memory_space<vmem>>[vector<16xi32>], vector<16xf32>,
    %get3A_276 = arith.constant 752 : index
    %get3A_277 = tpu.vector_load %arg4[%get3A_276] {strides = array<i32>} : memref<2048xi32, #tpu.memory_space<vmem>>, vector<16xi32>,
    %add3A_278 = arith.addi %mul3A_133, %get3A_277 : vector<16xi32>
    tpu.vector_store_idx %arg5[%add3A_278], %broadcast_in_dim3A_135 {add = true} : memref<1024xf32, #tpu.memory_space<vmem>>[vector<16xi32>], vector<16xf32>,
    %get3A_279 = arith.constant 768 : index
    %get3A_280 = tpu.vector_load %arg4[%get3A_279] {strides = array<i32>} : memref<2048xi32, #tpu.memory_space<vmem>>, vector<16xi32>,
    %add3A_281 = arith.addi %mul3A_133, %get3A_280 : vector<16xi32>
    tpu.vector_store_idx %arg5[%add3A_281], %broadcast_in_dim3A_135 {add = true} : memref<1024xf32, #tpu.memory_space<vmem>>[vector<16xi32>], vector<16xf32>,
    %get3A_282 = arith.constant 784 : index
    %get3A_283 = tpu.vector_load %arg4[%get3A_282] {strides = array<i32>} : memref<2048xi32, #tpu.memory_space<vmem>>, vector<16xi32>,
    %add3A_284 = arith.addi %mul3A_133, %get3A_283 : vector<16xi32>
    tpu.vector_store_idx %arg5[%add3A_284], %broadcast_in_dim3A_135 {add = true} : memref<1024xf32, #tpu.memory_space<vmem>>[vector<16xi32>], vector<16xf32>,
    %get3A_285 = arith.constant 800 : index
    %get3A_286 = tpu.vector_load %arg4[%get3A_285] {strides = array<i32>} : memref<2048xi32, #tpu.memory_space<vmem>>, vector<16xi32>,
    %add3A_287 = arith.addi %mul3A_133, %get3A_286 : vector<16xi32>
    tpu.vector_store_idx %arg5[%add3A_287], %broadcast_in_dim3A_135 {add = true} : memref<1024xf32, #tpu.memory_space<vmem>>[vector<16xi32>], vector<16xf32>,
    %get3A_288 = arith.constant 816 : index
    %get3A_289 = tpu.vector_load %arg4[%get3A_288] {strides = array<i32>} : memref<2048xi32, #tpu.memory_space<vmem>>, vector<16xi32>,
    %add3A_290 = arith.addi %mul3A_133, %get3A_289 : vector<16xi32>
    tpu.vector_store_idx %arg5[%add3A_290], %broadcast_in_dim3A_135 {add = true} : memref<1024xf32, #tpu.memory_space<vmem>>[vector<16xi32>], vector<16xf32>,
    %get3A_291 = arith.constant 832 : index
    %get3A_292 = tpu.vector_load %arg4[%get3A_291] {strides = array<i32>} : memref<2048xi32, #tpu.memory_space<vmem>>, vector<16xi32>,
    %add3A_293 = arith.addi %mul3A_133, %get3A_292 : vector<16xi32>
    tpu.vector_store_idx %arg5[%add3A_293], %broadcast_in_dim3A_135 {add = true} : memref<1024xf32, #tpu.memory_space<vmem>>[vector<16xi32>], vector<16xf32>,
    %get3A_294 = arith.constant 848 : index
    %get3A_295 = tpu.vector_load %arg4[%get3A_294] {strides = array<i32>} : memref<2048xi32, #tpu.memory_space<vmem>>, vector<16xi32>,
    %add3A_296 = arith.addi %mul3A_133, %get3A_295 : vector<16xi32>
    tpu.vector_store_idx %arg5[%add3A_296], %broadcast_in_dim3A_135 {add = true} : memref<1024xf32, #tpu.memory_space<vmem>>[vector<16xi32>], vector<16xf32>,
    %get3A_297 = arith.constant 864 : index
    %get3A_298 = tpu.vector_load %arg4[%get3A_297] {strides = array<i32>} : memref<2048xi32, #tpu.memory_space<vmem>>, vector<16xi32>,
    %add3A_299 = arith.addi %mul3A_133, %get3A_298 : vector<16xi32>
    tpu.vector_store_idx %arg5[%add3A_299], %broadcast_in_dim3A_135 {add = true} : memref<1024xf32, #tpu.memory_space<vmem>>[vector<16xi32>], vector<16xf32>,
    %get3A_300 = arith.constant 880 : index
    %get3A_301 = tpu.vector_load %arg4[%get3A_300] {strides = array<i32>} : memref<2048xi32, #tpu.memory_space<vmem>>, vector<16xi32>,
    %add3A_302 = arith.addi %mul3A_133, %get3A_301 : vector<16xi32>
    tpu.vector_store_idx %arg5[%add3A_302], %broadcast_in_dim3A_135 {add = true} : memref<1024xf32, #tpu.memory_space<vmem>>[vector<16xi32>], vector<16xf32>,
    %get3A_303 = arith.constant 896 : index
    %get3A_304 = tpu.vector_load %arg4[%get3A_303] {strides = array<i32>} : memref<2048xi32, #tpu.memory_space<vmem>>, vector<16xi32>,
    %add3A_305 = arith.addi %mul3A_133, %get3A_304 : vector<16xi32>
    tpu.vector_store_idx %arg5[%add3A_305], %broadcast_in_dim3A_135 {add = true} : memref<1024xf32, #tpu.memory_space<vmem>>[vector<16xi32>], vector<16xf32>,
    %get3A_306 = arith.constant 912 : index
    %get3A_307 = tpu.vector_load %arg4[%get3A_306] {strides = array<i32>} : memref<2048xi32, #tpu.memory_space<vmem>>, vector<16xi32>,
    %add3A_308 = arith.addi %mul3A_133, %get3A_307 : vector<16xi32>
    tpu.vector_store_idx %arg5[%add3A_308], %broadcast_in_dim3A_135 {add = true} : memref<1024xf32, #tpu.memory_space<vmem>>[vector<16xi32>], vector<16xf32>,
    %get3A_309 = arith.constant 928 : index
    %get3A_310 = tpu.vector_load %arg4[%get3A_309] {strides = array<i32>} : memref<2048xi32, #tpu.memory_space<vmem>>, vector<16xi32>,
    %add3A_311 = arith.addi %mul3A_133, %get3A_310 : vector<16xi32>
    tpu.vector_store_idx %arg5[%add3A_311], %broadcast_in_dim3A_135 {add = true} : memref<1024xf32, #tpu.memory_space<vmem>>[vector<16xi32>], vector<16xf32>,
    %get3A_312 = arith.constant 944 : index
    %get3A_313 = tpu.vector_load %arg4[%get3A_312] {strides = array<i32>} : memref<2048xi32, #tpu.memory_space<vmem>>, vector<16xi32>,
    %add3A_314 = arith.addi %mul3A_133, %get3A_313 : vector<16xi32>
    tpu.vector_store_idx %arg5[%add3A_314], %broadcast_in_dim3A_135 {add = true} : memref<1024xf32, #tpu.memory_space<vmem>>[vector<16xi32>], vector<16xf32>,
    %get3A_315 = arith.constant 960 : index
    %get3A_316 = tpu.vector_load %arg4[%get3A_315] {strides = array<i32>} : memref<2048xi32, #tpu.memory_space<vmem>>, vector<16xi32>,
    %add3A_317 = arith.addi %mul3A_133, %get3A_316 : vector<16xi32>
    tpu.vector_store_idx %arg5[%add3A_317], %broadcast_in_dim3A_135 {add = true} : memref<1024xf32, #tpu.memory_space<vmem>>[vector<16xi32>], vector<16xf32>,
    %get3A_318 = arith.constant 976 : index
    %get3A_319 = tpu.vector_load %arg4[%get3A_318] {strides = array<i32>} : memref<2048xi32, #tpu.memory_space<vmem>>, vector<16xi32>,
    %add3A_320 = arith.addi %mul3A_133, %get3A_319 : vector<16xi32>
    tpu.vector_store_idx %arg5[%add3A_320], %broadcast_in_dim3A_135 {add = true} : memref<1024xf32, #tpu.memory_space<vmem>>[vector<16xi32>], vector<16xf32>,
    %get3A_321 = arith.constant 992 : index
    %get3A_322 = tpu.vector_load %arg4[%get3A_321] {strides = array<i32>} : memref<2048xi32, #tpu.memory_space<vmem>>, vector<16xi32>,
    %add3A_323 = arith.addi %mul3A_133, %get3A_322 : vector<16xi32>
    tpu.vector_store_idx %arg5[%add3A_323], %broadcast_in_dim3A_135 {add = true} : memref<1024xf32, #tpu.memory_space<vmem>>[vector<16xi32>], vector<16xf32>,
    %get3A_324 = arith.constant 1008 : index
    %get3A_325 = tpu.vector_load %arg4[%get3A_324] {strides = array<i32>} : memref<2048xi32, #tpu.memory_space<vmem>>, vector<16xi32>,
    %add3A_326 = arith.addi %mul3A_133, %get3A_325 : vector<16xi32>
    tpu.vector_store_idx %arg5[%add3A_326], %broadcast_in_dim3A_135 {add = true} : memref<1024xf32, #tpu.memory_space<vmem>>[vector<16xi32>], vector<16xf32>,
    %get3A_327 = arith.constant 1024 : index
    %get3A_328 = tpu.vector_load %arg4[%get3A_327] {strides = array<i32>} : memref<2048xi32, #tpu.memory_space<vmem>>, vector<16xi32>,
    %add3A_329 = arith.addi %mul3A_133, %get3A_328 : vector<16xi32>
    tpu.vector_store_idx %arg5[%add3A_329], %broadcast_in_dim3A_135 {add = true} : memref<1024xf32, #tpu.memory_space<vmem>>[vector<16xi32>], vector<16xf32>,
    %get3A_330 = arith.constant 1040 : index
    %get3A_331 = tpu.vector_load %arg4[%get3A_330] {strides = array<i32>} : memref<2048xi32, #tpu.memory_space<vmem>>, vector<16xi32>,
    %add3A_332 = arith.addi %mul3A_133, %get3A_331 : vector<16xi32>
    tpu.vector_store_idx %arg5[%add3A_332], %broadcast_in_dim3A_135 {add = true} : memref<1024xf32, #tpu.memory_space<vmem>>[vector<16xi32>], vector<16xf32>,
    %get3A_333 = arith.constant 1056 : index
    %get3A_334 = tpu.vector_load %arg4[%get3A_333] {strides = array<i32>} : memref<2048xi32, #tpu.memory_space<vmem>>, vector<16xi32>,
    %add3A_335 = arith.addi %mul3A_133, %get3A_334 : vector<16xi32>
    tpu.vector_store_idx %arg5[%add3A_335], %broadcast_in_dim3A_135 {add = true} : memref<1024xf32, #tpu.memory_space<vmem>>[vector<16xi32>], vector<16xf32>,
    %get3A_336 = arith.constant 1072 : index
    %get3A_337 = tpu.vector_load %arg4[%get3A_336] {strides = array<i32>} : memref<2048xi32, #tpu.memory_space<vmem>>, vector<16xi32>,
    %add3A_338 = arith.addi %mul3A_133, %get3A_337 : vector<16xi32>
    tpu.vector_store_idx %arg5[%add3A_338], %broadcast_in_dim3A_135 {add = true} : memref<1024xf32, #tpu.memory_space<vmem>>[vector<16xi32>], vector<16xf32>,
    %get3A_339 = arith.constant 1088 : index
    %get3A_340 = tpu.vector_load %arg4[%get3A_339] {strides = array<i32>} : memref<2048xi32, #tpu.memory_space<vmem>>, vector<16xi32>,
    %add3A_341 = arith.addi %mul3A_133, %get3A_340 : vector<16xi32>
    tpu.vector_store_idx %arg5[%add3A_341], %broadcast_in_dim3A_135 {add = true} : memref<1024xf32, #tpu.memory_space<vmem>>[vector<16xi32>], vector<16xf32>,
    %get3A_342 = arith.constant 1104 : index
    %get3A_343 = tpu.vector_load %arg4[%get3A_342] {strides = array<i32>} : memref<2048xi32, #tpu.memory_space<vmem>>, vector<16xi32>,
    %add3A_344 = arith.addi %mul3A_133, %get3A_343 : vector<16xi32>
    tpu.vector_store_idx %arg5[%add3A_344], %broadcast_in_dim3A_135 {add = true} : memref<1024xf32, #tpu.memory_space<vmem>>[vector<16xi32>], vector<16xf32>,
    %get3A_345 = arith.constant 1120 : index
    %get3A_346 = tpu.vector_load %arg4[%get3A_345] {strides = array<i32>} : memref<2048xi32, #tpu.memory_space<vmem>>, vector<16xi32>,
    %add3A_347 = arith.addi %mul3A_133, %get3A_346 : vector<16xi32>
    tpu.vector_store_idx %arg5[%add3A_347], %broadcast_in_dim3A_135 {add = true} : memref<1024xf32, #tpu.memory_space<vmem>>[vector<16xi32>], vector<16xf32>,
    %get3A_348 = arith.constant 1136 : index
    %get3A_349 = tpu.vector_load %arg4[%get3A_348] {strides = array<i32>} : memref<2048xi32, #tpu.memory_space<vmem>>, vector<16xi32>,
    %add3A_350 = arith.addi %mul3A_133, %get3A_349 : vector<16xi32>
    tpu.vector_store_idx %arg5[%add3A_350], %broadcast_in_dim3A_135 {add = true} : memref<1024xf32, #tpu.memory_space<vmem>>[vector<16xi32>], vector<16xf32>,
    %get3A_351 = arith.constant 1152 : index
    %get3A_352 = tpu.vector_load %arg4[%get3A_351] {strides = array<i32>} : memref<2048xi32, #tpu.memory_space<vmem>>, vector<16xi32>,
    %add3A_353 = arith.addi %mul3A_133, %get3A_352 : vector<16xi32>
    tpu.vector_store_idx %arg5[%add3A_353], %broadcast_in_dim3A_135 {add = true} : memref<1024xf32, #tpu.memory_space<vmem>>[vector<16xi32>], vector<16xf32>,
    %get3A_354 = arith.constant 1168 : index
    %get3A_355 = tpu.vector_load %arg4[%get3A_354] {strides = array<i32>} : memref<2048xi32, #tpu.memory_space<vmem>>, vector<16xi32>,
    %add3A_356 = arith.addi %mul3A_133, %get3A_355 : vector<16xi32>
    tpu.vector_store_idx %arg5[%add3A_356], %broadcast_in_dim3A_135 {add = true} : memref<1024xf32, #tpu.memory_space<vmem>>[vector<16xi32>], vector<16xf32>,
    %get3A_357 = arith.constant 1184 : index
    %get3A_358 = tpu.vector_load %arg4[%get3A_357] {strides = array<i32>} : memref<2048xi32, #tpu.memory_space<vmem>>, vector<16xi32>,
    %add3A_359 = arith.addi %mul3A_133, %get3A_358 : vector<16xi32>
    tpu.vector_store_idx %arg5[%add3A_359], %broadcast_in_dim3A_135 {add = true} : memref<1024xf32, #tpu.memory_space<vmem>>[vector<16xi32>], vector<16xf32>,
    %get3A_360 = arith.constant 1200 : index
    %get3A_361 = tpu.vector_load %arg4[%get3A_360] {strides = array<i32>} : memref<2048xi32, #tpu.memory_space<vmem>>, vector<16xi32>,
    %add3A_362 = arith.addi %mul3A_133, %get3A_361 : vector<16xi32>
    tpu.vector_store_idx %arg5[%add3A_362], %broadcast_in_dim3A_135 {add = true} : memref<1024xf32, #tpu.memory_space<vmem>>[vector<16xi32>], vector<16xf32>,
    %get3A_363 = arith.constant 1216 : index
    %get3A_364 = tpu.vector_load %arg4[%get3A_363] {strides = array<i32>} : memref<2048xi32, #tpu.memory_space<vmem>>, vector<16xi32>,
    %add3A_365 = arith.addi %mul3A_133, %get3A_364 : vector<16xi32>
    tpu.vector_store_idx %arg5[%add3A_365], %broadcast_in_dim3A_135 {add = true} : memref<1024xf32, #tpu.memory_space<vmem>>[vector<16xi32>], vector<16xf32>,
    %get3A_366 = arith.constant 1232 : index
    %get3A_367 = tpu.vector_load %arg4[%get3A_366] {strides = array<i32>} : memref<2048xi32, #tpu.memory_space<vmem>>, vector<16xi32>,
    %add3A_368 = arith.addi %mul3A_133, %get3A_367 : vector<16xi32>
    tpu.vector_store_idx %arg5[%add3A_368], %broadcast_in_dim3A_135 {add = true} : memref<1024xf32, #tpu.memory_space<vmem>>[vector<16xi32>], vector<16xf32>,
    %get3A_369 = arith.constant 1248 : index
    %get3A_370 = tpu.vector_load %arg4[%get3A_369] {strides = array<i32>} : memref<2048xi32, #tpu.memory_space<vmem>>, vector<16xi32>,
    %add3A_371 = arith.addi %mul3A_133, %get3A_370 : vector<16xi32>
    tpu.vector_store_idx %arg5[%add3A_371], %broadcast_in_dim3A_135 {add = true} : memref<1024xf32, #tpu.memory_space<vmem>>[vector<16xi32>], vector<16xf32>,
    %get3A_372 = arith.constant 1264 : index
    %get3A_373 = tpu.vector_load %arg4[%get3A_372] {strides = array<i32>} : memref<2048xi32, #tpu.memory_space<vmem>>, vector<16xi32>,
    %add3A_374 = arith.addi %mul3A_133, %get3A_373 : vector<16xi32>
    tpu.vector_store_idx %arg5[%add3A_374], %broadcast_in_dim3A_135 {add = true} : memref<1024xf32, #tpu.memory_space<vmem>>[vector<16xi32>], vector<16xf32>,
    %get3A_375 = arith.constant 1280 : index
    %get3A_376 = tpu.vector_load %arg4[%get3A_375] {strides = array<i32>} : memref<2048xi32, #tpu.memory_space<vmem>>, vector<16xi32>,
    %add3A_377 = arith.addi %mul3A_133, %get3A_376 : vector<16xi32>
    tpu.vector_store_idx %arg5[%add3A_377], %broadcast_in_dim3A_135 {add = true} : memref<1024xf32, #tpu.memory_space<vmem>>[vector<16xi32>], vector<16xf32>,
    %get3A_378 = arith.constant 1296 : index
    %get3A_379 = tpu.vector_load %arg4[%get3A_378] {strides = array<i32>} : memref<2048xi32, #tpu.memory_space<vmem>>, vector<16xi32>,
    %add3A_380 = arith.addi %mul3A_133, %get3A_379 : vector<16xi32>
    tpu.vector_store_idx %arg5[%add3A_380], %broadcast_in_dim3A_135 {add = true} : memref<1024xf32, #tpu.memory_space<vmem>>[vector<16xi32>], vector<16xf32>,
    %get3A_381 = arith.constant 1312 : index
    %get3A_382 = tpu.vector_load %arg4[%get3A_381] {strides = array<i32>} : memref<2048xi32, #tpu.memory_space<vmem>>, vector<16xi32>,
    %add3A_383 = arith.addi %mul3A_133, %get3A_382 : vector<16xi32>
    tpu.vector_store_idx %arg5[%add3A_383], %broadcast_in_dim3A_135 {add = true} : memref<1024xf32, #tpu.memory_space<vmem>>[vector<16xi32>], vector<16xf32>,
    %get3A_384 = arith.constant 1328 : index
    %get3A_385 = tpu.vector_load %arg4[%get3A_384] {strides = array<i32>} : memref<2048xi32, #tpu.memory_space<vmem>>, vector<16xi32>,
    %add3A_386 = arith.addi %mul3A_133, %get3A_385 : vector<16xi32>
    tpu.vector_store_idx %arg5[%add3A_386], %broadcast_in_dim3A_135 {add = true} : memref<1024xf32, #tpu.memory_space<vmem>>[vector<16xi32>], vector<16xf32>,
    %get3A_387 = arith.constant 1344 : index
    %get3A_388 = tpu.vector_load %arg4[%get3A_387] {strides = array<i32>} : memref<2048xi32, #tpu.memory_space<vmem>>, vector<16xi32>,
    %add3A_389 = arith.addi %mul3A_133, %get3A_388 : vector<16xi32>
    tpu.vector_store_idx %arg5[%add3A_389], %broadcast_in_dim3A_135 {add = true} : memref<1024xf32, #tpu.memory_space<vmem>>[vector<16xi32>], vector<16xf32>,
    %get3A_390 = arith.constant 1360 : index
    %get3A_391 = tpu.vector_load %arg4[%get3A_390] {strides = array<i32>} : memref<2048xi32, #tpu.memory_space<vmem>>, vector<16xi32>,
    %add3A_392 = arith.addi %mul3A_133, %get3A_391 : vector<16xi32>
    tpu.vector_store_idx %arg5[%add3A_392], %broadcast_in_dim3A_135 {add = true} : memref<1024xf32, #tpu.memory_space<vmem>>[vector<16xi32>], vector<16xf32>,
    %get3A_393 = arith.constant 1376 : index
    %get3A_394 = tpu.vector_load %arg4[%get3A_393] {strides = array<i32>} : memref<2048xi32, #tpu.memory_space<vmem>>, vector<16xi32>,
    %add3A_395 = arith.addi %mul3A_133, %get3A_394 : vector<16xi32>
    tpu.vector_store_idx %arg5[%add3A_395], %broadcast_in_dim3A_135 {add = true} : memref<1024xf32, #tpu.memory_space<vmem>>[vector<16xi32>], vector<16xf32>,
    %get3A_396 = arith.constant 1392 : index
    %get3A_397 = tpu.vector_load %arg4[%get3A_396] {strides = array<i32>} : memref<2048xi32, #tpu.memory_space<vmem>>, vector<16xi32>,
    %add3A_398 = arith.addi %mul3A_133, %get3A_397 : vector<16xi32>
    tpu.vector_store_idx %arg5[%add3A_398], %broadcast_in_dim3A_135 {add = true} : memref<1024xf32, #tpu.memory_space<vmem>>[vector<16xi32>], vector<16xf32>,
    %get3A_399 = arith.constant 1408 : index
    %get3A_400 = tpu.vector_load %arg4[%get3A_399] {strides = array<i32>} : memref<2048xi32, #tpu.memory_space<vmem>>, vector<16xi32>,
    %add3A_401 = arith.addi %mul3A_133, %get3A_400 : vector<16xi32>
    tpu.vector_store_idx %arg5[%add3A_401], %broadcast_in_dim3A_135 {add = true} : memref<1024xf32, #tpu.memory_space<vmem>>[vector<16xi32>], vector<16xf32>,
    %get3A_402 = arith.constant 1424 : index
    %get3A_403 = tpu.vector_load %arg4[%get3A_402] {strides = array<i32>} : memref<2048xi32, #tpu.memory_space<vmem>>, vector<16xi32>,
    %add3A_404 = arith.addi %mul3A_133, %get3A_403 : vector<16xi32>
    tpu.vector_store_idx %arg5[%add3A_404], %broadcast_in_dim3A_135 {add = true} : memref<1024xf32, #tpu.memory_space<vmem>>[vector<16xi32>], vector<16xf32>,
    %get3A_405 = arith.constant 1440 : index
    %get3A_406 = tpu.vector_load %arg4[%get3A_405] {strides = array<i32>} : memref<2048xi32, #tpu.memory_space<vmem>>, vector<16xi32>,
    %add3A_407 = arith.addi %mul3A_133, %get3A_406 : vector<16xi32>
    tpu.vector_store_idx %arg5[%add3A_407], %broadcast_in_dim3A_135 {add = true} : memref<1024xf32, #tpu.memory_space<vmem>>[vector<16xi32>], vector<16xf32>,
    %get3A_408 = arith.constant 1456 : index
    %get3A_409 = tpu.vector_load %arg4[%get3A_408] {strides = array<i32>} : memref<2048xi32, #tpu.memory_space<vmem>>, vector<16xi32>,
    %add3A_410 = arith.addi %mul3A_133, %get3A_409 : vector<16xi32>
    tpu.vector_store_idx %arg5[%add3A_410], %broadcast_in_dim3A_135 {add = true} : memref<1024xf32, #tpu.memory_space<vmem>>[vector<16xi32>], vector<16xf32>,
    %get3A_411 = arith.constant 1472 : index
    %get3A_412 = tpu.vector_load %arg4[%get3A_411] {strides = array<i32>} : memref<2048xi32, #tpu.memory_space<vmem>>, vector<16xi32>,
    %add3A_413 = arith.addi %mul3A_133, %get3A_412 : vector<16xi32>
    tpu.vector_store_idx %arg5[%add3A_413], %broadcast_in_dim3A_135 {add = true} : memref<1024xf32, #tpu.memory_space<vmem>>[vector<16xi32>], vector<16xf32>,
    %get3A_414 = arith.constant 1488 : index
    %get3A_415 = tpu.vector_load %arg4[%get3A_414] {strides = array<i32>} : memref<2048xi32, #tpu.memory_space<vmem>>, vector<16xi32>,
    %add3A_416 = arith.addi %mul3A_133, %get3A_415 : vector<16xi32>
    tpu.vector_store_idx %arg5[%add3A_416], %broadcast_in_dim3A_135 {add = true} : memref<1024xf32, #tpu.memory_space<vmem>>[vector<16xi32>], vector<16xf32>,
    %get3A_417 = arith.constant 1504 : index
    %get3A_418 = tpu.vector_load %arg4[%get3A_417] {strides = array<i32>} : memref<2048xi32, #tpu.memory_space<vmem>>, vector<16xi32>,
    %add3A_419 = arith.addi %mul3A_133, %get3A_418 : vector<16xi32>
    tpu.vector_store_idx %arg5[%add3A_419], %broadcast_in_dim3A_135 {add = true} : memref<1024xf32, #tpu.memory_space<vmem>>[vector<16xi32>], vector<16xf32>,
    %get3A_420 = arith.constant 1520 : index
    %get3A_421 = tpu.vector_load %arg4[%get3A_420] {strides = array<i32>} : memref<2048xi32, #tpu.memory_space<vmem>>, vector<16xi32>,
    %add3A_422 = arith.addi %mul3A_133, %get3A_421 : vector<16xi32>
    tpu.vector_store_idx %arg5[%add3A_422], %broadcast_in_dim3A_135 {add = true} : memref<1024xf32, #tpu.memory_space<vmem>>[vector<16xi32>], vector<16xf32>,
    %get3A_423 = arith.constant 1536 : index
    %get3A_424 = tpu.vector_load %arg4[%get3A_423] {strides = array<i32>} : memref<2048xi32, #tpu.memory_space<vmem>>, vector<16xi32>,
    %add3A_425 = arith.addi %mul3A_133, %get3A_424 : vector<16xi32>
    tpu.vector_store_idx %arg5[%add3A_425], %broadcast_in_dim3A_135 {add = true} : memref<1024xf32, #tpu.memory_space<vmem>>[vector<16xi32>], vector<16xf32>,
    %get3A_426 = arith.constant 1552 : index
    %get3A_427 = tpu.vector_load %arg4[%get3A_426] {strides = array<i32>} : memref<2048xi32, #tpu.memory_space<vmem>>, vector<16xi32>,
    %add3A_428 = arith.addi %mul3A_133, %get3A_427 : vector<16xi32>
    tpu.vector_store_idx %arg5[%add3A_428], %broadcast_in_dim3A_135 {add = true} : memref<1024xf32, #tpu.memory_space<vmem>>[vector<16xi32>], vector<16xf32>,
    %get3A_429 = arith.constant 1568 : index
    %get3A_430 = tpu.vector_load %arg4[%get3A_429] {strides = array<i32>} : memref<2048xi32, #tpu.memory_space<vmem>>, vector<16xi32>,
    %add3A_431 = arith.addi %mul3A_133, %get3A_430 : vector<16xi32>
    tpu.vector_store_idx %arg5[%add3A_431], %broadcast_in_dim3A_135 {add = true} : memref<1024xf32, #tpu.memory_space<vmem>>[vector<16xi32>], vector<16xf32>,
    %get3A_432 = arith.constant 1584 : index
    %get3A_433 = tpu.vector_load %arg4[%get3A_432] {strides = array<i32>} : memref<2048xi32, #tpu.memory_space<vmem>>, vector<16xi32>,
    %add3A_434 = arith.addi %mul3A_133, %get3A_433 : vector<16xi32>
    tpu.vector_store_idx %arg5[%add3A_434], %broadcast_in_dim3A_135 {add = true} : memref<1024xf32, #tpu.memory_space<vmem>>[vector<16xi32>], vector<16xf32>,
    %get3A_435 = arith.constant 1600 : index
    %get3A_436 = tpu.vector_load %arg4[%get3A_435] {strides = array<i32>} : memref<2048xi32, #tpu.memory_space<vmem>>, vector<16xi32>,
    %add3A_437 = arith.addi %mul3A_133, %get3A_436 : vector<16xi32>
    tpu.vector_store_idx %arg5[%add3A_437], %broadcast_in_dim3A_135 {add = true} : memref<1024xf32, #tpu.memory_space<vmem>>[vector<16xi32>], vector<16xf32>,
    %get3A_438 = arith.constant 1616 : index
    %get3A_439 = tpu.vector_load %arg4[%get3A_438] {strides = array<i32>} : memref<2048xi32, #tpu.memory_space<vmem>>, vector<16xi32>,
    %add3A_440 = arith.addi %mul3A_133, %get3A_439 : vector<16xi32>
    tpu.vector_store_idx %arg5[%add3A_440], %broadcast_in_dim3A_135 {add = true} : memref<1024xf32, #tpu.memory_space<vmem>>[vector<16xi32>], vector<16xf32>,
    %get3A_441 = arith.constant 1632 : index
    %get3A_442 = tpu.vector_load %arg4[%get3A_441] {strides = array<i32>} : memref<2048xi32, #tpu.memory_space<vmem>>, vector<16xi32>,
    %add3A_443 = arith.addi %mul3A_133, %get3A_442 : vector<16xi32>
    tpu.vector_store_idx %arg5[%add3A_443], %broadcast_in_dim3A_135 {add = true} : memref<1024xf32, #tpu.memory_space<vmem>>[vector<16xi32>], vector<16xf32>,
    %get3A_444 = arith.constant 1648 : index
    %get3A_445 = tpu.vector_load %arg4[%get3A_444] {strides = array<i32>} : memref<2048xi32, #tpu.memory_space<vmem>>, vector<16xi32>,
    %add3A_446 = arith.addi %mul3A_133, %get3A_445 : vector<16xi32>
    tpu.vector_store_idx %arg5[%add3A_446], %broadcast_in_dim3A_135 {add = true} : memref<1024xf32, #tpu.memory_space<vmem>>[vector<16xi32>], vector<16xf32>,
    %get3A_447 = arith.constant 1664 : index
    %get3A_448 = tpu.vector_load %arg4[%get3A_447] {strides = array<i32>} : memref<2048xi32, #tpu.memory_space<vmem>>, vector<16xi32>,
    %add3A_449 = arith.addi %mul3A_133, %get3A_448 : vector<16xi32>
    tpu.vector_store_idx %arg5[%add3A_449], %broadcast_in_dim3A_135 {add = true} : memref<1024xf32, #tpu.memory_space<vmem>>[vector<16xi32>], vector<16xf32>,
    %get3A_450 = arith.constant 1680 : index
    %get3A_451 = tpu.vector_load %arg4[%get3A_450] {strides = array<i32>} : memref<2048xi32, #tpu.memory_space<vmem>>, vector<16xi32>,
    %add3A_452 = arith.addi %mul3A_133, %get3A_451 : vector<16xi32>
    tpu.vector_store_idx %arg5[%add3A_452], %broadcast_in_dim3A_135 {add = true} : memref<1024xf32, #tpu.memory_space<vmem>>[vector<16xi32>], vector<16xf32>,
    %get3A_453 = arith.constant 1696 : index
    %get3A_454 = tpu.vector_load %arg4[%get3A_453] {strides = array<i32>} : memref<2048xi32, #tpu.memory_space<vmem>>, vector<16xi32>,
    %add3A_455 = arith.addi %mul3A_133, %get3A_454 : vector<16xi32>
    tpu.vector_store_idx %arg5[%add3A_455], %broadcast_in_dim3A_135 {add = true} : memref<1024xf32, #tpu.memory_space<vmem>>[vector<16xi32>], vector<16xf32>,
    %get3A_456 = arith.constant 1712 : index
    %get3A_457 = tpu.vector_load %arg4[%get3A_456] {strides = array<i32>} : memref<2048xi32, #tpu.memory_space<vmem>>, vector<16xi32>,
    %add3A_458 = arith.addi %mul3A_133, %get3A_457 : vector<16xi32>
    tpu.vector_store_idx %arg5[%add3A_458], %broadcast_in_dim3A_135 {add = true} : memref<1024xf32, #tpu.memory_space<vmem>>[vector<16xi32>], vector<16xf32>,
    %get3A_459 = arith.constant 1728 : index
    %get3A_460 = tpu.vector_load %arg4[%get3A_459] {strides = array<i32>} : memref<2048xi32, #tpu.memory_space<vmem>>, vector<16xi32>,
    %add3A_461 = arith.addi %mul3A_133, %get3A_460 : vector<16xi32>
    tpu.vector_store_idx %arg5[%add3A_461], %broadcast_in_dim3A_135 {add = true} : memref<1024xf32, #tpu.memory_space<vmem>>[vector<16xi32>], vector<16xf32>,
    %get3A_462 = arith.constant 1744 : index
    %get3A_463 = tpu.vector_load %arg4[%get3A_462] {strides = array<i32>} : memref<2048xi32, #tpu.memory_space<vmem>>, vector<16xi32>,
    %add3A_464 = arith.addi %mul3A_133, %get3A_463 : vector<16xi32>
    tpu.vector_store_idx %arg5[%add3A_464], %broadcast_in_dim3A_135 {add = true} : memref<1024xf32, #tpu.memory_space<vmem>>[vector<16xi32>], vector<16xf32>,
    %get3A_465 = arith.constant 1760 : index
    %get3A_466 = tpu.vector_load %arg4[%get3A_465] {strides = array<i32>} : memref<2048xi32, #tpu.memory_space<vmem>>, vector<16xi32>,
    %add3A_467 = arith.addi %mul3A_133, %get3A_466 : vector<16xi32>
    tpu.vector_store_idx %arg5[%add3A_467], %broadcast_in_dim3A_135 {add = true} : memref<1024xf32, #tpu.memory_space<vmem>>[vector<16xi32>], vector<16xf32>,
    %get3A_468 = arith.constant 1776 : index
    %get3A_469 = tpu.vector_load %arg4[%get3A_468] {strides = array<i32>} : memref<2048xi32, #tpu.memory_space<vmem>>, vector<16xi32>,
    %add3A_470 = arith.addi %mul3A_133, %get3A_469 : vector<16xi32>
    tpu.vector_store_idx %arg5[%add3A_470], %broadcast_in_dim3A_135 {add = true} : memref<1024xf32, #tpu.memory_space<vmem>>[vector<16xi32>], vector<16xf32>,
    %get3A_471 = arith.constant 1792 : index
    %get3A_472 = tpu.vector_load %arg4[%get3A_471] {strides = array<i32>} : memref<2048xi32, #tpu.memory_space<vmem>>, vector<16xi32>,
    %add3A_473 = arith.addi %mul3A_133, %get3A_472 : vector<16xi32>
    tpu.vector_store_idx %arg5[%add3A_473], %broadcast_in_dim3A_135 {add = true} : memref<1024xf32, #tpu.memory_space<vmem>>[vector<16xi32>], vector<16xf32>,
    %get3A_474 = arith.constant 1808 : index
    %get3A_475 = tpu.vector_load %arg4[%get3A_474] {strides = array<i32>} : memref<2048xi32, #tpu.memory_space<vmem>>, vector<16xi32>,
    %add3A_476 = arith.addi %mul3A_133, %get3A_475 : vector<16xi32>
    tpu.vector_store_idx %arg5[%add3A_476], %broadcast_in_dim3A_135 {add = true} : memref<1024xf32, #tpu.memory_space<vmem>>[vector<16xi32>], vector<16xf32>,
    %get3A_477 = arith.constant 1824 : index
    %get3A_478 = tpu.vector_load %arg4[%get3A_477] {strides = array<i32>} : memref<2048xi32, #tpu.memory_space<vmem>>, vector<16xi32>,
    %add3A_479 = arith.addi %mul3A_133, %get3A_478 : vector<16xi32>
    tpu.vector_store_idx %arg5[%add3A_479], %broadcast_in_dim3A_135 {add = true} : memref<1024xf32, #tpu.memory_space<vmem>>[vector<16xi32>], vector<16xf32>,
    %get3A_480 = arith.constant 1840 : index
    %get3A_481 = tpu.vector_load %arg4[%get3A_480] {strides = array<i32>} : memref<2048xi32, #tpu.memory_space<vmem>>, vector<16xi32>,
    %add3A_482 = arith.addi %mul3A_133, %get3A_481 : vector<16xi32>
    tpu.vector_store_idx %arg5[%add3A_482], %broadcast_in_dim3A_135 {add = true} : memref<1024xf32, #tpu.memory_space<vmem>>[vector<16xi32>], vector<16xf32>,
    %get3A_483 = arith.constant 1856 : index
    %get3A_484 = tpu.vector_load %arg4[%get3A_483] {strides = array<i32>} : memref<2048xi32, #tpu.memory_space<vmem>>, vector<16xi32>,
    %add3A_485 = arith.addi %mul3A_133, %get3A_484 : vector<16xi32>
    tpu.vector_store_idx %arg5[%add3A_485], %broadcast_in_dim3A_135 {add = true} : memref<1024xf32, #tpu.memory_space<vmem>>[vector<16xi32>], vector<16xf32>,
    %get3A_486 = arith.constant 1872 : index
    %get3A_487 = tpu.vector_load %arg4[%get3A_486] {strides = array<i32>} : memref<2048xi32, #tpu.memory_space<vmem>>, vector<16xi32>,
    %add3A_488 = arith.addi %mul3A_133, %get3A_487 : vector<16xi32>
    tpu.vector_store_idx %arg5[%add3A_488], %broadcast_in_dim3A_135 {add = true} : memref<1024xf32, #tpu.memory_space<vmem>>[vector<16xi32>], vector<16xf32>,
    %get3A_489 = arith.constant 1888 : index
    %get3A_490 = tpu.vector_load %arg4[%get3A_489] {strides = array<i32>} : memref<2048xi32, #tpu.memory_space<vmem>>, vector<16xi32>,
    %add3A_491 = arith.addi %mul3A_133, %get3A_490 : vector<16xi32>
    tpu.vector_store_idx %arg5[%add3A_491], %broadcast_in_dim3A_135 {add = true} : memref<1024xf32, #tpu.memory_space<vmem>>[vector<16xi32>], vector<16xf32>,
    %get3A_492 = arith.constant 1904 : index
    %get3A_493 = tpu.vector_load %arg4[%get3A_492] {strides = array<i32>} : memref<2048xi32, #tpu.memory_space<vmem>>, vector<16xi32>,
    %add3A_494 = arith.addi %mul3A_133, %get3A_493 : vector<16xi32>
    tpu.vector_store_idx %arg5[%add3A_494], %broadcast_in_dim3A_135 {add = true} : memref<1024xf32, #tpu.memory_space<vmem>>[vector<16xi32>], vector<16xf32>,
    %get3A_495 = arith.constant 1920 : index
    %get3A_496 = tpu.vector_load %arg4[%get3A_495] {strides = array<i32>} : memref<2048xi32, #tpu.memory_space<vmem>>, vector<16xi32>,
    %add3A_497 = arith.addi %mul3A_133, %get3A_496 : vector<16xi32>
    tpu.vector_store_idx %arg5[%add3A_497], %broadcast_in_dim3A_135 {add = true} : memref<1024xf32, #tpu.memory_space<vmem>>[vector<16xi32>], vector<16xf32>,
    %get3A_498 = arith.constant 1936 : index
    %get3A_499 = tpu.vector_load %arg4[%get3A_498] {strides = array<i32>} : memref<2048xi32, #tpu.memory_space<vmem>>, vector<16xi32>,
    %add3A_500 = arith.addi %mul3A_133, %get3A_499 : vector<16xi32>
    tpu.vector_store_idx %arg5[%add3A_500], %broadcast_in_dim3A_135 {add = true} : memref<1024xf32, #tpu.memory_space<vmem>>[vector<16xi32>], vector<16xf32>,
    %get3A_501 = arith.constant 1952 : index
    %get3A_502 = tpu.vector_load %arg4[%get3A_501] {strides = array<i32>} : memref<2048xi32, #tpu.memory_space<vmem>>, vector<16xi32>,
    %add3A_503 = arith.addi %mul3A_133, %get3A_502 : vector<16xi32>
    tpu.vector_store_idx %arg5[%add3A_503], %broadcast_in_dim3A_135 {add = true} : memref<1024xf32, #tpu.memory_space<vmem>>[vector<16xi32>], vector<16xf32>,
    %get3A_504 = arith.constant 1968 : index
    %get3A_505 = tpu.vector_load %arg4[%get3A_504] {strides = array<i32>} : memref<2048xi32, #tpu.memory_space<vmem>>, vector<16xi32>,
    %add3A_506 = arith.addi %mul3A_133, %get3A_505 : vector<16xi32>
    tpu.vector_store_idx %arg5[%add3A_506], %broadcast_in_dim3A_135 {add = true} : memref<1024xf32, #tpu.memory_space<vmem>>[vector<16xi32>], vector<16xf32>,
    %get3A_507 = arith.constant 1984 : index
    %get3A_508 = tpu.vector_load %arg4[%get3A_507] {strides = array<i32>} : memref<2048xi32, #tpu.memory_space<vmem>>, vector<16xi32>,
    %add3A_509 = arith.addi %mul3A_133, %get3A_508 : vector<16xi32>
    tpu.vector_store_idx %arg5[%add3A_509], %broadcast_in_dim3A_135 {add = true} : memref<1024xf32, #tpu.memory_space<vmem>>[vector<16xi32>], vector<16xf32>,
    %get3A_510 = arith.constant 2000 : index
    %get3A_511 = tpu.vector_load %arg4[%get3A_510] {strides = array<i32>} : memref<2048xi32, #tpu.memory_space<vmem>>, vector<16xi32>,
    %add3A_512 = arith.addi %mul3A_133, %get3A_511 : vector<16xi32>
    tpu.vector_store_idx %arg5[%add3A_512], %broadcast_in_dim3A_135 {add = true} : memref<1024xf32, #tpu.memory_space<vmem>>[vector<16xi32>], vector<16xf32>,
    %get3A_513 = arith.constant 2016 : index
    %get3A_514 = tpu.vector_load %arg4[%get3A_513] {strides = array<i32>} : memref<2048xi32, #tpu.memory_space<vmem>>, vector<16xi32>,
    %add3A_515 = arith.addi %mul3A_133, %get3A_514 : vector<16xi32>
    tpu.vector_store_idx %arg5[%add3A_515], %broadcast_in_dim3A_135 {add = true} : memref<1024xf32, #tpu.memory_space<vmem>>[vector<16xi32>], vector<16xf32>,
    %get3A_516 = arith.constant 2032 : index
    %get3A_517 = tpu.vector_load %arg4[%get3A_516] {strides = array<i32>} : memref<2048xi32, #tpu.memory_space<vmem>>, vector<16xi32>,
    %add3A_518 = arith.addi %mul3A_133, %get3A_517 : vector<16xi32>
    tpu.vector_store_idx %arg5[%add3A_518], %broadcast_in_dim3A_135 {add = true} : memref<1024xf32, #tpu.memory_space<vmem>>[vector<16xi32>], vector<16xf32>,
    %get3A_519 = arith.constant 0 : index
    %get3A_520 = tpu.vector_load %arg5[%get3A_519] {strides = array<i32>} : memref<1024xf32, #tpu.memory_space<vmem>>, vector<16xf32>,
    %add3A_521 = arith.addf %broadcast_in_dim3A_3, %get3A_520 : vector<16xf32>
    %get3A_522 = arith.constant 64 : index
    %get3A_523 = tpu.vector_load %arg5[%get3A_522] {strides = array<i32>} : memref<1024xf32, #tpu.memory_space<vmem>>, vector<16xf32>,
    %add3A_524 = arith.addf %add3A_521, %get3A_523 : vector<16xf32>
    %get3A_525 = arith.constant 128 : index
    %get3A_526 = tpu.vector_load %arg5[%get3A_525] {strides = array<i32>} : memref<1024xf32, #tpu.memory_space<vmem>>, vector<16xf32>,
    %add3A_527 = arith.addf %add3A_524, %get3A_526 : vector<16xf32>
    %get3A_528 = arith.constant 192 : index
    %get3A_529 = tpu.vector_load %arg5[%get3A_528] {strides = array<i32>} : memref<1024xf32, #tpu.memory_space<vmem>>, vector<16xf32>,
    %add3A_530 = arith.addf %add3A_527, %get3A_529 : vector<16xf32>
    %get3A_531 = arith.constant 256 : index
    %get3A_532 = tpu.vector_load %arg5[%get3A_531] {strides = array<i32>} : memref<1024xf32, #tpu.memory_space<vmem>>, vector<16xf32>,
    %add3A_533 = arith.addf %add3A_530, %get3A_532 : vector<16xf32>
    %get3A_534 = arith.constant 320 : index
    %get3A_535 = tpu.vector_load %arg5[%get3A_534] {strides = array<i32>} : memref<1024xf32, #tpu.memory_space<vmem>>, vector<16xf32>,
    %add3A_536 = arith.addf %add3A_533, %get3A_535 : vector<16xf32>
    %get3A_537 = arith.constant 384 : index
    %get3A_538 = tpu.vector_load %arg5[%get3A_537] {strides = array<i32>} : memref<1024xf32, #tpu.memory_space<vmem>>, vector<16xf32>,
    %add3A_539 = arith.addf %add3A_536, %get3A_538 : vector<16xf32>
    %get3A_540 = arith.constant 448 : index
    %get3A_541 = tpu.vector_load %arg5[%get3A_540] {strides = array<i32>} : memref<1024xf32, #tpu.memory_space<vmem>>, vector<16xf32>,
    %add3A_542 = arith.addf %add3A_539, %get3A_541 : vector<16xf32>
    %get3A_543 = arith.constant 512 : index
    %get3A_544 = tpu.vector_load %arg5[%get3A_543] {strides = array<i32>} : memref<1024xf32, #tpu.memory_space<vmem>>, vector<16xf32>,
    %add3A_545 = arith.addf %add3A_542, %get3A_544 : vector<16xf32>
    %get3A_546 = arith.constant 576 : index
    %get3A_547 = tpu.vector_load %arg5[%get3A_546] {strides = array<i32>} : memref<1024xf32, #tpu.memory_space<vmem>>, vector<16xf32>,
    %add3A_548 = arith.addf %add3A_545, %get3A_547 : vector<16xf32>
    %get3A_549 = arith.constant 640 : index
    %get3A_550 = tpu.vector_load %arg5[%get3A_549] {strides = array<i32>} : memref<1024xf32, #tpu.memory_space<vmem>>, vector<16xf32>,
    %add3A_551 = arith.addf %add3A_548, %get3A_550 : vector<16xf32>
    %get3A_552 = arith.constant 704 : index
    %get3A_553 = tpu.vector_load %arg5[%get3A_552] {strides = array<i32>} : memref<1024xf32, #tpu.memory_space<vmem>>, vector<16xf32>,
    %add3A_554 = arith.addf %add3A_551, %get3A_553 : vector<16xf32>
    %get3A_555 = arith.constant 768 : index
    %get3A_556 = tpu.vector_load %arg5[%get3A_555] {strides = array<i32>} : memref<1024xf32, #tpu.memory_space<vmem>>, vector<16xf32>,
    %add3A_557 = arith.addf %add3A_554, %get3A_556 : vector<16xf32>
    %get3A_558 = arith.constant 832 : index
    %get3A_559 = tpu.vector_load %arg5[%get3A_558] {strides = array<i32>} : memref<1024xf32, #tpu.memory_space<vmem>>, vector<16xf32>,
    %add3A_560 = arith.addf %add3A_557, %get3A_559 : vector<16xf32>
    %get3A_561 = arith.constant 896 : index
    %get3A_562 = tpu.vector_load %arg5[%get3A_561] {strides = array<i32>} : memref<1024xf32, #tpu.memory_space<vmem>>, vector<16xf32>,
    %add3A_563 = arith.addf %add3A_560, %get3A_562 : vector<16xf32>
    %get3A_564 = arith.constant 960 : index
    %get3A_565 = tpu.vector_load %arg5[%get3A_564] {strides = array<i32>} : memref<1024xf32, #tpu.memory_space<vmem>>, vector<16xf32>,
    %add3A_566 = arith.addf %add3A_563, %get3A_565 : vector<16xf32>
    %swap3A_567 = arith.constant 0 : index
    %swap3A_568 = tpu.vector_load %arg6[%swap3A_567] {strides = array<i32>} : memref<64xf32, #tpu.memory_space<vmem>>, vector<16xf32>,
    tpu.vector_store %arg6[%swap3A_567], %add3A_566 {strides = array<i32>} : memref<64xf32, #tpu.memory_space<vmem>>, vector<16xf32>,
    %get3A_569 = arith.constant 16 : index
    %get3A_570 = tpu.vector_load %arg5[%get3A_569] {strides = array<i32>} : memref<1024xf32, #tpu.memory_space<vmem>>, vector<16xf32>,
    %add3A_571 = arith.addf %broadcast_in_dim3A_3, %get3A_570 : vector<16xf32>
    %get3A_572 = arith.constant 80 : index
    %get3A_573 = tpu.vector_load %arg5[%get3A_572] {strides = array<i32>} : memref<1024xf32, #tpu.memory_space<vmem>>, vector<16xf32>,
    %add3A_574 = arith.addf %add3A_571, %get3A_573 : vector<16xf32>
    %get3A_575 = arith.constant 144 : index
    %get3A_576 = tpu.vector_load %arg5[%get3A_575] {strides = array<i32>} : memref<1024xf32, #tpu.memory_space<vmem>>, vector<16xf32>,
    %add3A_577 = arith.addf %add3A_574, %get3A_576 : vector<16xf32>
    %get3A_578 = arith.constant 208 : index
    %get3A_579 = tpu.vector_load %arg5[%get3A_578] {strides = array<i32>} : memref<1024xf32, #tpu.memory_space<vmem>>, vector<16xf32>,
    %add3A_580 = arith.addf %add3A_577, %get3A_579 : vector<16xf32>
    %get3A_581 = arith.constant 272 : index
    %get3A_582 = tpu.vector_load %arg5[%get3A_581] {strides = array<i32>} : memref<1024xf32, #tpu.memory_space<vmem>>, vector<16xf32>,
    %add3A_583 = arith.addf %add3A_580, %get3A_582 : vector<16xf32>
    %get3A_584 = arith.constant 336 : index
    %get3A_585 = tpu.vector_load %arg5[%get3A_584] {strides = array<i32>} : memref<1024xf32, #tpu.memory_space<vmem>>, vector<16xf32>,
    %add3A_586 = arith.addf %add3A_583, %get3A_585 : vector<16xf32>
    %get3A_587 = arith.constant 400 : index
    %get3A_588 = tpu.vector_load %arg5[%get3A_587] {strides = array<i32>} : memref<1024xf32, #tpu.memory_space<vmem>>, vector<16xf32>,
    %add3A_589 = arith.addf %add3A_586, %get3A_588 : vector<16xf32>
    %get3A_590 = arith.constant 464 : index
    %get3A_591 = tpu.vector_load %arg5[%get3A_590] {strides = array<i32>} : memref<1024xf32, #tpu.memory_space<vmem>>, vector<16xf32>,
    %add3A_592 = arith.addf %add3A_589, %get3A_591 : vector<16xf32>
    %get3A_593 = arith.constant 528 : index
    %get3A_594 = tpu.vector_load %arg5[%get3A_593] {strides = array<i32>} : memref<1024xf32, #tpu.memory_space<vmem>>, vector<16xf32>,
    %add3A_595 = arith.addf %add3A_592, %get3A_594 : vector<16xf32>
    %get3A_596 = arith.constant 592 : index
    %get3A_597 = tpu.vector_load %arg5[%get3A_596] {strides = array<i32>} : memref<1024xf32, #tpu.memory_space<vmem>>, vector<16xf32>,
    %add3A_598 = arith.addf %add3A_595, %get3A_597 : vector<16xf32>
    %get3A_599 = arith.constant 656 : index
    %get3A_600 = tpu.vector_load %arg5[%get3A_599] {strides = array<i32>} : memref<1024xf32, #tpu.memory_space<vmem>>, vector<16xf32>,
    %add3A_601 = arith.addf %add3A_598, %get3A_600 : vector<16xf32>
    %get3A_602 = arith.constant 720 : index
    %get3A_603 = tpu.vector_load %arg5[%get3A_602] {strides = array<i32>} : memref<1024xf32, #tpu.memory_space<vmem>>, vector<16xf32>,
    %add3A_604 = arith.addf %add3A_601, %get3A_603 : vector<16xf32>
    %get3A_605 = arith.constant 784 : index
    %get3A_606 = tpu.vector_load %arg5[%get3A_605] {strides = array<i32>} : memref<1024xf32, #tpu.memory_space<vmem>>, vector<16xf32>,
    %add3A_607 = arith.addf %add3A_604, %get3A_606 : vector<16xf32>
    %get3A_608 = arith.constant 848 : index
    %get3A_609 = tpu.vector_load %arg5[%get3A_608] {strides = array<i32>} : memref<1024xf32, #tpu.memory_space<vmem>>, vector<16xf32>,
    %add3A_610 = arith.addf %add3A_607, %get3A_609 : vector<16xf32>
    %get3A_611 = arith.constant 912 : index
    %get3A_612 = tpu.vector_load %arg5[%get3A_611] {strides = array<i32>} : memref<1024xf32, #tpu.memory_space<vmem>>, vector<16xf32>,
    %add3A_613 = arith.addf %add3A_610, %get3A_612 : vector<16xf32>
    %get3A_614 = arith.constant 976 : index
    %get3A_615 = tpu.vector_load %arg5[%get3A_614] {strides = array<i32>} : memref<1024xf32, #tpu.memory_space<vmem>>, vector<16xf32>,
    %add3A_616 = arith.addf %add3A_613, %get3A_615 : vector<16xf32>
    %swap3A_617 = arith.constant 16 : index
    %swap3A_618 = tpu.vector_load %arg6[%swap3A_617] {strides = array<i32>} : memref<64xf32, #tpu.memory_space<vmem>>, vector<16xf32>,
    tpu.vector_store %arg6[%swap3A_617], %add3A_616 {strides = array<i32>} : memref<64xf32, #tpu.memory_space<vmem>>, vector<16xf32>,
    %get3A_619 = arith.constant 32 : index
    %get3A_620 = tpu.vector_load %arg5[%get3A_619] {strides = array<i32>} : memref<1024xf32, #tpu.memory_space<vmem>>, vector<16xf32>,
    %add3A_621 = arith.addf %broadcast_in_dim3A_3, %get3A_620 : vector<16xf32>
    %get3A_622 = arith.constant 96 : index
    %get3A_623 = tpu.vector_load %arg5[%get3A_622] {strides = array<i32>} : memref<1024xf32, #tpu.memory_space<vmem>>, vector<16xf32>,
    %add3A_624 = arith.addf %add3A_621, %get3A_623 : vector<16xf32>
    %get3A_625 = arith.constant 160 : index
    %get3A_626 = tpu.vector_load %arg5[%get3A_625] {strides = array<i32>} : memref<1024xf32, #tpu.memory_space<vmem>>, vector<16xf32>,
    %add3A_627 = arith.addf %add3A_624, %get3A_626 : vector<16xf32>
    %get3A_628 = arith.constant 224 : index
    %get3A_629 = tpu.vector_load %arg5[%get3A_628] {strides = array<i32>} : memref<1024xf32, #tpu.memory_space<vmem>>, vector<16xf32>,
    %add3A_630 = arith.addf %add3A_627, %get3A_629 : vector<16xf32>
    %get3A_631 = arith.constant 288 : index
    %get3A_632 = tpu.vector_load %arg5[%get3A_631] {strides = array<i32>} : memref<1024xf32, #tpu.memory_space<vmem>>, vector<16xf32>,
    %add3A_633 = arith.addf %add3A_630, %get3A_632 : vector<16xf32>
    %get3A_634 = arith.constant 352 : index
    %get3A_635 = tpu.vector_load %arg5[%get3A_634] {strides = array<i32>} : memref<1024xf32, #tpu.memory_space<vmem>>, vector<16xf32>,
    %add3A_636 = arith.addf %add3A_633, %get3A_635 : vector<16xf32>
    %get3A_637 = arith.constant 416 : index
    %get3A_638 = tpu.vector_load %arg5[%get3A_637] {strides = array<i32>} : memref<1024xf32, #tpu.memory_space<vmem>>, vector<16xf32>,
    %add3A_639 = arith.addf %add3A_636, %get3A_638 : vector<16xf32>
    %get3A_640 = arith.constant 480 : index
    %get3A_641 = tpu.vector_load %arg5[%get3A_640] {strides = array<i32>} : memref<1024xf32, #tpu.memory_space<vmem>>, vector<16xf32>,
    %add3A_642 = arith.addf %add3A_639, %get3A_641 : vector<16xf32>
    %get3A_643 = arith.constant 544 : index
    %get3A_644 = tpu.vector_load %arg5[%get3A_643] {strides = array<i32>} : memref<1024xf32, #tpu.memory_space<vmem>>, vector<16xf32>,
    %add3A_645 = arith.addf %add3A_642, %get3A_644 : vector<16xf32>
    %get3A_646 = arith.constant 608 : index
    %get3A_647 = tpu.vector_load %arg5[%get3A_646] {strides = array<i32>} : memref<1024xf32, #tpu.memory_space<vmem>>, vector<16xf32>,
    %add3A_648 = arith.addf %add3A_645, %get3A_647 : vector<16xf32>
    %get3A_649 = arith.constant 672 : index
    %get3A_650 = tpu.vector_load %arg5[%get3A_649] {strides = array<i32>} : memref<1024xf32, #tpu.memory_space<vmem>>, vector<16xf32>,
    %add3A_651 = arith.addf %add3A_648, %get3A_650 : vector<16xf32>
    %get3A_652 = arith.constant 736 : index
    %get3A_653 = tpu.vector_load %arg5[%get3A_652] {strides = array<i32>} : memref<1024xf32, #tpu.memory_space<vmem>>, vector<16xf32>,
    %add3A_654 = arith.addf %add3A_651, %get3A_653 : vector<16xf32>
    %get3A_655 = arith.constant 800 : index
    %get3A_656 = tpu.vector_load %arg5[%get3A_655] {strides = array<i32>} : memref<1024xf32, #tpu.memory_space<vmem>>, vector<16xf32>,
    %add3A_657 = arith.addf %add3A_654, %get3A_656 : vector<16xf32>
    %get3A_658 = arith.constant 864 : index
    %get3A_659 = tpu.vector_load %arg5[%get3A_658] {strides = array<i32>} : memref<1024xf32, #tpu.memory_space<vmem>>, vector<16xf32>,
    %add3A_660 = arith.addf %add3A_657, %get3A_659 : vector<16xf32>
    %get3A_661 = arith.constant 928 : index
    %get3A_662 = tpu.vector_load %arg5[%get3A_661] {strides = array<i32>} : memref<1024xf32, #tpu.memory_space<vmem>>, vector<16xf32>,
    %add3A_663 = arith.addf %add3A_660, %get3A_662 : vector<16xf32>
    %get3A_664 = arith.constant 992 : index
    %get3A_665 = tpu.vector_load %arg5[%get3A_664] {strides = array<i32>} : memref<1024xf32, #tpu.memory_space<vmem>>, vector<16xf32>,
    %add3A_666 = arith.addf %add3A_663, %get3A_665 : vector<16xf32>
    %swap3A_667 = arith.constant 32 : index
    %swap3A_668 = tpu.vector_load %arg6[%swap3A_667] {strides = array<i32>} : memref<64xf32, #tpu.memory_space<vmem>>, vector<16xf32>,
    tpu.vector_store %arg6[%swap3A_667], %add3A_666 {strides = array<i32>} : memref<64xf32, #tpu.memory_space<vmem>>, vector<16xf32>,
    %get3A_669 = arith.constant 48 : index
    %get3A_670 = tpu.vector_load %arg5[%get3A_669] {strides = array<i32>} : memref<1024xf32, #tpu.memory_space<vmem>>, vector<16xf32>,
    %add3A_671 = arith.addf %broadcast_in_dim3A_3, %get3A_670 : vector<16xf32>
    %get3A_672 = arith.constant 112 : index
    %get3A_673 = tpu.vector_load %arg5[%get3A_672] {strides = array<i32>} : memref<1024xf32, #tpu.memory_space<vmem>>, vector<16xf32>,
    %add3A_674 = arith.addf %add3A_671, %get3A_673 : vector<16xf32>
    %get3A_675 = arith.constant 176 : index
    %get3A_676 = tpu.vector_load %arg5[%get3A_675] {strides = array<i32>} : memref<1024xf32, #tpu.memory_space<vmem>>, vector<16xf32>,
    %add3A_677 = arith.addf %add3A_674, %get3A_676 : vector<16xf32>
    %get3A_678 = arith.constant 240 : index
    %get3A_679 = tpu.vector_load %arg5[%get3A_678] {strides = array<i32>} : memref<1024xf32, #tpu.memory_space<vmem>>, vector<16xf32>,
    %add3A_680 = arith.addf %add3A_677, %get3A_679 : vector<16xf32>
    %get3A_681 = arith.constant 304 : index
    %get3A_682 = tpu.vector_load %arg5[%get3A_681] {strides = array<i32>} : memref<1024xf32, #tpu.memory_space<vmem>>, vector<16xf32>,
    %add3A_683 = arith.addf %add3A_680, %get3A_682 : vector<16xf32>
    %get3A_684 = arith.constant 368 : index
    %get3A_685 = tpu.vector_load %arg5[%get3A_684] {strides = array<i32>} : memref<1024xf32, #tpu.memory_space<vmem>>, vector<16xf32>,
    %add3A_686 = arith.addf %add3A_683, %get3A_685 : vector<16xf32>
    %get3A_687 = arith.constant 432 : index
    %get3A_688 = tpu.vector_load %arg5[%get3A_687] {strides = array<i32>} : memref<1024xf32, #tpu.memory_space<vmem>>, vector<16xf32>,
    %add3A_689 = arith.addf %add3A_686, %get3A_688 : vector<16xf32>
    %get3A_690 = arith.constant 496 : index
    %get3A_691 = tpu.vector_load %arg5[%get3A_690] {strides = array<i32>} : memref<1024xf32, #tpu.memory_space<vmem>>, vector<16xf32>,
    %add3A_692 = arith.addf %add3A_689, %get3A_691 : vector<16xf32>
    %get3A_693 = arith.constant 560 : index
    %get3A_694 = tpu.vector_load %arg5[%get3A_693] {strides = array<i32>} : memref<1024xf32, #tpu.memory_space<vmem>>, vector<16xf32>,
    %add3A_695 = arith.addf %add3A_692, %get3A_694 : vector<16xf32>
    %get3A_696 = arith.constant 624 : index
    %get3A_697 = tpu.vector_load %arg5[%get3A_696] {strides = array<i32>} : memref<1024xf32, #tpu.memory_space<vmem>>, vector<16xf32>,
    %add3A_698 = arith.addf %add3A_695, %get3A_697 : vector<16xf32>
    %get3A_699 = arith.constant 688 : index
    %get3A_700 = tpu.vector_load %arg5[%get3A_699] {strides = array<i32>} : memref<1024xf32, #tpu.memory_space<vmem>>, vector<16xf32>,
    %add3A_701 = arith.addf %add3A_698, %get3A_700 : vector<16xf32>
    %get3A_702 = arith.constant 752 : index
    %get3A_703 = tpu.vector_load %arg5[%get3A_702] {strides = array<i32>} : memref<1024xf32, #tpu.memory_space<vmem>>, vector<16xf32>,
    %add3A_704 = arith.addf %add3A_701, %get3A_703 : vector<16xf32>
    %get3A_705 = arith.constant 816 : index
    %get3A_706 = tpu.vector_load %arg5[%get3A_705] {strides = array<i32>} : memref<1024xf32, #tpu.memory_space<vmem>>, vector<16xf32>,
    %add3A_707 = arith.addf %add3A_704, %get3A_706 : vector<16xf32>
    %get3A_708 = arith.constant 880 : index
    %get3A_709 = tpu.vector_load %arg5[%get3A_708] {strides = array<i32>} : memref<1024xf32, #tpu.memory_space<vmem>>, vector<16xf32>,
    %add3A_710 = arith.addf %add3A_707, %get3A_709 : vector<16xf32>
    %get3A_711 = arith.constant 944 : index
    %get3A_712 = tpu.vector_load %arg5[%get3A_711] {strides = array<i32>} : memref<1024xf32, #tpu.memory_space<vmem>>, vector<16xf32>,
    %add3A_713 = arith.addf %add3A_710, %get3A_712 : vector<16xf32>
    %get3A_714 = arith.constant 1008 : index
    %get3A_715 = tpu.vector_load %arg5[%get3A_714] {strides = array<i32>} : memref<1024xf32, #tpu.memory_space<vmem>>, vector<16xf32>,
    %add3A_716 = arith.addf %add3A_713, %get3A_715 : vector<16xf32>
    %swap3A_717 = arith.constant 48 : index
    %swap3A_718 = tpu.vector_load %arg6[%swap3A_717] {strides = array<i32>} : memref<64xf32, #tpu.memory_space<vmem>>, vector<16xf32>,
    tpu.vector_store %arg6[%swap3A_717], %add3A_716 {strides = array<i32>} : memref<64xf32, #tpu.memory_space<vmem>>, vector<16xf32>,
    %mul3A_719 = arith.constant 64 : i32
    %mul3A_720 = arith.muli %add3A, %mul3A_719 : i32
    "tpu.region"() ({
      %run_scoped3A = tpu.sem_alloc : memref<!tpu.dma_semaphore, #tpu.memory_space<semaphore_mem>>
      %dma_start3A = tpu.memref_slice %arg3[%mul3A_720] : memref<1024xf32, #tpu.memory_space<hbm>> -> memref<64xf32, #tpu.memory_space<hbm>>
      %dma_start3A_721 = tpu.memref_slice %arg3[%mul3A_720] : memref<1024xf32, #tpu.memory_space<hbm>> -> memref<64xf32, #tpu.memory_space<hbm>>
      tpu.enqueue_dma source(%arg6 : memref<64xf32, #tpu.memory_space<vmem>>) target(%dma_start3A_721 : memref<64xf32, #tpu.memory_space<hbm>>) target_semaphore(%run_scoped3A : memref<!tpu.dma_semaphore, #tpu.memory_space<semaphore_mem>>)
      %dma_wait3A = tpu.memref_slice %arg3[%mul3A_720] : memref<1024xf32, #tpu.memory_space<hbm>> -> memref<64xf32, #tpu.memory_space<hbm>>
      %dma_wait3A_722 = tpu.memref_slice %arg3[%mul3A_720] : memref<1024xf32, #tpu.memory_space<hbm>> -> memref<64xf32, #tpu.memory_space<hbm>>
      tpu.wait_dma2 semaphore(%run_scoped3A : memref<!tpu.dma_semaphore, #tpu.memory_space<semaphore_mem>>) src(%arg6 : memref<64xf32, #tpu.memory_space<vmem>>) dst(%dma_wait3A_722 : memref<64xf32, #tpu.memory_space<hbm>>)
      tpu.yield
    }) : () -> ()
    return
  }
}

module attributes {stable_mosaic.version = 14 : i64} {
  func.func @_tc_body(%arg0: i32, %arg1: memref<1024x128xf32, #tpu.memory_space<vmem>>, %arg2: memref<128x128xf32, #tpu.memory_space<vmem>>, %arg3: memref<16x64xf32, #tpu.memory_space<vmem>>, %arg4: memref<1x1xf32, #tpu.memory_space<smem>>, %arg5: memref<1x128xf32, #tpu.memory_space<vmem>>) attributes {dimension_semantics = [#tpu.dimension_semantics<arbitrary>], iteration_bounds = array<i64: 8>, scalar_prefetch = 0 : i64, scratch_operands = 1 : i64, tpu.core_type = #tpu.core_type<tc>, window_params = [{transform_indices = @transform_0, window_bounds = array<i64: 1024, 128>}, {pipeline_mode = #tpu.pipeline_mode<synchronous>, transform_indices = @transform_1, window_bounds = array<i64: 128, 128>}, {pipeline_mode = #tpu.pipeline_mode<synchronous>, transform_indices = @transform_2, window_bounds = array<i64: 16, 64>}, {transform_indices = @transform_3, window_bounds = array<i64: 1, 1>}]} {
    %eq3A = arith.constant 0 : i32
    %eq3A_0 = arith.cmpi eq, %arg0, %eq3A : i32
    %convert_element_type3A = arith.extui %eq3A_0 : i1 to i32
    %cond3A = arith.constant 0 : i32
    %cond3A_1 = arith.cmpi ne, %convert_element_type3A, %cond3A : i32
    scf.if %cond3A_1 {
      %broadcast_in_dim3A_19 = arith.constant 0.000000e+00 : f32
      %broadcast_in_dim3A_20 = vector.broadcast %broadcast_in_dim3A_19 : f32 to vector<1x128xf32>
      %swap3A_21 = arith.constant 0 : index
      %swap3A_22 = arith.constant 0 : index
      %swap3A_23 = vector.load %arg5[%swap3A_21, %swap3A_22] : memref<1x128xf32, #tpu.memory_space<vmem>>, vector<1x128xf32>
      tpu.vector_store %arg5[%swap3A_21, %swap3A_22], %broadcast_in_dim3A_20 {strides = array<i32>} : memref<1x128xf32, #tpu.memory_space<vmem>>, vector<1x128xf32>,
    } else {
    }
    %get3A = arith.constant 0 : index
    %get3A_2 = arith.constant 0 : index
    %get3A_3 = vector.load %arg1[%get3A, %get3A_2] : memref<1024x128xf32, #tpu.memory_space<vmem>>, vector<1024x128xf32>
    %exp3A = math.exp %get3A_3 : vector<1024x128xf32>
    %get3A_4 = arith.constant 0 : index
    %get3A_5 = arith.constant 0 : index
    %get3A_6 = vector.load %arg2[%get3A_4, %get3A_5] : memref<128x128xf32, #tpu.memory_space<vmem>>, vector<128x128xf32>
    %dot_general3A = arith.constant dense<0.000000e+00> : vector<1024x128xf32>
    %dot_general3A_7 = tpu.matmul %exp3A, %get3A_6, %dot_general3A {dimension_numbers = #tpu.dot_dimension_numbers<[1], [0], [0], [1], [0, 0, 1, 1], [], []>, transpose_lhs_hint = false} : vector<1024x128xf32>, vector<128x128xf32>, vector<1024x128xf32> -> vector<1024x128xf32>
    %get3A_8 = arith.constant 0 : index
    %get3A_9 = arith.constant 0 : index
    %get3A_10 = vector.load %arg5[%get3A_8, %get3A_9] : memref<1x128xf32, #tpu.memory_space<vmem>>, vector<1x128xf32>
    %div3A = arith.divf %exp3A, %dot_general3A_7 : vector<1024x128xf32>
    %reduce_sum3A = arith.constant dense<0.000000e+00> : vector<128xf32>
    %reduce_sum3A_11 = vector.multi_reduction <add>, %div3A, %reduce_sum3A [0] : vector<1024x128xf32> to vector<128xf32>
    %broadcast_in_dim3A = vector.shape_cast %reduce_sum3A_11 : vector<128xf32> to vector<1x128xf32>
    %add3A = arith.addf %get3A_10, %broadcast_in_dim3A : vector<1x128xf32>
    %swap3A = arith.constant 0 : index
    %swap3A_12 = arith.constant 0 : index
    %swap3A_13 = vector.load %arg5[%swap3A, %swap3A_12] : memref<1x128xf32, #tpu.memory_space<vmem>>, vector<1x128xf32>
    tpu.vector_store %arg5[%swap3A, %swap3A_12], %add3A {strides = array<i32>} : memref<1x128xf32, #tpu.memory_space<vmem>>, vector<1x128xf32>,
    %eq3A_14 = arith.constant 7 : i32
    %eq3A_15 = arith.cmpi eq, %arg0, %eq3A_14 : i32
    %convert_element_type3A_16 = arith.extui %eq3A_15 : i1 to i32
    %cond3A_17 = arith.constant 0 : i32
    %cond3A_18 = arith.cmpi ne, %convert_element_type3A_16, %cond3A_17 : i32
    scf.if %cond3A_18 {
      %get3A_19 = arith.constant 0 : index
      %get3A_20 = arith.constant 0 : index
      %get3A_21 = vector.load %arg3[%get3A_19, %get3A_20] : memref<16x64xf32, #tpu.memory_space<vmem>>, vector<16x64xf32>
      %reduce_sum3A_22 = arith.constant dense<0.000000e+00> : vector<64xf32>
      %reduce_sum3A_23 = vector.multi_reduction <add>, %get3A_21, %reduce_sum3A_22 [0] : vector<16x64xf32> to vector<64xf32>
      %broadcast_in_dim3A_24 = vector.shape_cast %reduce_sum3A_23 : vector<64xf32> to vector<1x64xf32>
      %get3A_25 = arith.constant 0 : index
      %get3A_26 = arith.constant 0 : index
      %get3A_27 = vector.load %arg5[%get3A_25, %get3A_26] : memref<1x128xf32, #tpu.memory_space<vmem>>, vector<1x128xf32>
      %slice3A = vector.extract_strided_slice %get3A_27 {offsets = [0, 0], sizes = [1, 64], strides = [1, 1]} : vector<1x128xf32> to vector<1x64xf32>
      %slice3A_28 = vector.extract_strided_slice %get3A_27 {offsets = [0, 64], sizes = [1, 64], strides = [1, 1]} : vector<1x128xf32> to vector<1x64xf32>
      %add3A_29 = arith.addf %slice3A, %slice3A_28 : vector<1x64xf32>
      %mul3A = arith.mulf %add3A_29, %broadcast_in_dim3A_24 : vector<1x64xf32>
      %reduce_sum3A_30 = vector.shape_cast %mul3A : vector<1x64xf32> to vector<1x1x64xf32>
      %reduce_sum3A_31 = arith.constant dense<0.000000e+00> : vector<1xf32>
      %reduce_sum3A_32 = vector.multi_reduction <add>, %reduce_sum3A_30, %reduce_sum3A_31 [1, 2] : vector<1x1x64xf32> to vector<1xf32>
      %reduce_sum3A_33 = vector.shape_cast %reduce_sum3A_32 : vector<1xf32> to vector<1x1x1xf32>
      %reduce_sum3A_34 = vector.extract %reduce_sum3A_33[0, 0, 0] : f32 from vector<1x1x1xf32>
      %mul3A_35 = arith.constant 2.38418579E-7 : f32
      %mul3A_36 = arith.mulf %reduce_sum3A_34, %mul3A_35 : f32
      %swap3A_37 = arith.constant 0 : index
      %swap3A_38 = arith.constant 0 : index
      %swap3A_39 = memref.load %arg4[%swap3A_37, %swap3A_38] : memref<1x1xf32, #tpu.memory_space<smem>>
      memref.store %mul3A_36, %arg4[%swap3A_37, %swap3A_38] : memref<1x1xf32, #tpu.memory_space<smem>>
    } else {
    }
    return
  }
  func.func @transform_0(%arg0: i32) -> (i32, i32) {
    %c0_i32 = arith.constant 0 : i32
    %c0_i32_0 = arith.constant 0 : i32
    return %arg0, %c0_i32 : i32, i32
  }
  func.func @transform_1(%arg0: i32) -> (i32, i32) {
    %c0_i32 = arith.constant 0 : i32
    %c0_i32_0 = arith.constant 0 : i32
    %c0_i32_1 = arith.constant 0 : i32
    return %c0_i32, %c0_i32_0 : i32, i32
  }
  func.func @transform_2(%arg0: i32) -> (i32, i32) {
    %c0_i32 = arith.constant 0 : i32
    %c0_i32_0 = arith.constant 0 : i32
    %c0_i32_1 = arith.constant 0 : i32
    return %c0_i32, %c0_i32_0 : i32, i32
  }
  func.func @transform_3(%arg0: i32) -> (i32, i32) {
    %c0_i32 = arith.constant 0 : i32
    %c0_i32_0 = arith.constant 0 : i32
    %c0_i32_1 = arith.constant 0 : i32
    return %c0_i32, %c0_i32_0 : i32, i32
  }
}

</mosaic_0001>

<sc_bundles>
// kernel: kernel.4.cloned.1.call-start
scs
__scs_entry_jumppad:
0x0: {  	(pc) =	sbr.rel $0x88, $3  }
0x1: {  	(tag) =	ssettag $0x0;
	lr =	simm.s32 $0x1  }
0x2: {  	[smem:$0x3F9F] =	sst lr;
	_ =	strace $0xD0000000  }
0x3: {  	_ = 	snop  }
0x4: {  	_ = 	snop  }
0x5: {  	_ = 	snop  }
0x6: {  	_ = 	snop  }
0x7: {  	_ = 	snop  }
__scs_overlays_trampoline_lowered:
0x8: {  	[smem:$0x3FAE] =	sst s0  }
0x9: {  	[smem:$0x3FAF] =	sst s1  }
0xa: {  	[smem:$0x3FB0] =	sst s2  }
0xb: {  	[smem:$0x3FB1] =	sst s3  }
0xc: {  	[smem:$0x3FB2] =	sst s4  }
0xd: {  	[smem:$0x3FB3] =	sst s5  }
0xe: {  	[smem:$0x3FB4] =	sst s6  }
0xf: {  	[smem:$0x3FB5] =	sst s7  }
0x10: {  	[smem:$0x3FB6] =	sst s8  }
0x11: {  	[smem:$0x3FB7] =	sst s9;
	s0 =	simm.s32 @!p0 $0x0  }
0x12: {  	s1 =	sld [smem:$0x3F9D];
	s0 =	simm.s32 @p0 $0x1  }
0x13: {  	[smem:$0x3FB8] =	sst s0;
	s0 =	simm.s32 @!p1 $0x0  }
0x14: {  	s2 =	sld [smem:$0x3F9C];
	s0 =	simm.s32 @p1 $0x1  }
0x15: {  	[smem:$0x3FB9] =	sst s0;
	s0 =	simm.s32 @!p2 $0x0  }
0x16: {  	s3 =	sld [smem:$0x3FDB];
	s0 =	simm.s32 @p2 $0x1  }
0x17: {  	s4 =	simm.s32 $0x1BF5;
	[smem:$0x3FBB] =	sst s0  }
0x18: {  	s0 =	sld [smem:$0x3F9E];
	_ =	swait.ge [sflag:s4], $0x0  }
0x19: {  	s7 =	sld [smem:$0x3F9F]  }
0x1a: {  	s8 =	sadd.s32 $0xFFFFE003, lr  }
0x1b: {  	s9 =	sadd.s32 $0xFFFFFEF7, lr;
	s5 =	simm.s32 $0xFFFFFFFF;
	p2 =	slt.u32 s8, $0xFFFFF086  }
0x1c: {  	p1 =	slt.u32 s9, $0xF7A;
	s5 =	simm.s32 @!p2 $0x0  }
0x1d: {  	s5 =	simm.s32 @p1 $0x1;
	p0 =	seq.s32 s7, s2  }
0x1e: {  	s7 =	smul.u32 @!p0 $0xF7A, s2;
	p2 =	seq.s32 @!p0 s5, $0x0  }
0x1f: {  	s9 =	smul.u32 $0xF7A, s1;
	s8 =	simm.s32 @!p0 $0x1BF5;
	p2 =	por !p2, p0  }
0x20: {  	[sflag:s8] =	ssyncset.s32 @!p0 $0xFFFFF086;
	s6 =	sadd.s32 @!p0 s3, s7;
	s7 =	simm.s32 @!p0 $0x108  }
0x21: {  	s3 =	sadd.s32 s3, s9;
	s6 =	sadd.s32 @!p0 $0x88, s6;
	s7 =	simm.s32 @p2 $0x1082  }
0x22: {  	[simem:s7], [sflag:s8] =	dma.local @!p0 [hbm:s6], $0xF7A  }
0x23: {  	s9 =	sor.u32 $0xD0000000, s2;
	s6 =	simm.s32 $0x108;
	_ =	swait.ge @!p0 [sflag:s8], $0x0  }
0x24: {  	s3 =	sadd.s32 $0x88, s3;
	s6 =	simm.s32 @!p1 $0x1082;
	[sflag:s4] =	ssyncset.s32 $0xFFFFF086  }
0x25: {  	[simem:s6], [sflag:s4] =	dma.local [hbm:s3], $0xF7A  }
0x26: {  	[smem:$0x3F9F] =	sst s1;
	(tag) =	ssettag s2;
	_ =	strace s9  }
0x27: {  	s1 =	sld [smem:$0x3FAF]  }
0x28: {  	s2 =	sld [smem:$0x3FB0]  }
0x29: {  	s4 =	sld [smem:$0x3FB2]  }
0x2a: {  	p0 =	seq.s32 s5, $0x0;
	s5 =	sld [smem:$0x3FB3]  }
0x2b: {  	s6 =	sld [smem:$0x3FB4]  }
0x2c: {  	s7 =	sld [smem:$0x3FB5]  }
0x2d: {  	s3 =	simm.s32 $0x108;
	s8 =	sld [smem:$0x3FB6]  }
0x2e: {  	s3 =	simm.s32 @!p0 $0x1082;
	s9 =	sld [smem:$0x3FB7]  }
0x2f: {  	lr =	sadd.s32 s0, s3;
	s0 =	sld [smem:$0x3FAE]  }
0x30: {  	s3 =	sld [smem:$0x3FB1]  }
0x31: {  	[smem:$0x3FBA] =	sst s10  }
0x32: {  	s10 =	sld [smem:$0x3FB8];
	_ =	sdelay $0x3  }
0x33: {  	p0 =	seq.s32 s10, $0x1;
	s10 =	sld [smem:$0x3FBA];
	_ =	sdelay $0x3  }
0x34: {  	[smem:$0x3FBA] =	sst s10  }
0x35: {  	s10 =	sld [smem:$0x3FB9];
	_ =	sdelay $0x3  }
0x36: {  	p1 =	seq.s32 s10, $0x1;
	s10 =	sld [smem:$0x3FBA];
	_ =	sdelay $0x3  }
0x37: {  	[smem:$0x3FBA] =	sst s10  }
0x38: {  	s10 =	sld [smem:$0x3FBB]  }
0x39: {  	_ = 	snop;
	(pc) =	sbr.ind lr, $3  }
0x3a: {  	_ = 	snop  }
0x3b: {  	_ = 	snop  }
0x3c: {  	p2 =	seq.s32 s10, $0x1;
	s10 =	sld [smem:$0x3FBA]  }
0x3d: {  	_ =	shalt  }
0x3e: {  	_ =	shalt  }
0x3f: {  	_ =	shalt  }
0x40: {  	_ =	shalt  }
0x41: {  	_ =	shalt  }
0x42: {  	_ =	shalt  }
0x43: {  	_ =	shalt  }
0x44: {  	_ =	shalt  }
0x45: {  	_ =	shalt  }
0x46: {  	_ =	shalt  }
0x47: {  	_ =	shalt  }
0x48: {  	_ =	shalt  }
0x49: {  	_ =	shalt  }
0x4a: {  	_ =	shalt  }
0x4b: {  	_ =	shalt  }
0x4c: {  	_ =	shalt  }
0x4d: {  	_ =	shalt  }
0x4e: {  	_ =	shalt  }
0x4f: {  	_ =	shalt  }
0x50: {  	_ =	shalt  }
0x51: {  	_ =	shalt  }
0x52: {  	_ =	shalt  }
0x53: {  	_ =	shalt  }
0x54: {  	_ =	shalt  }
0x55: {  	_ =	shalt  }
0x56: {  	_ =	shalt  }
0x57: {  	_ =	shalt  }
0x58: {  	_ =	shalt  }
0x59: {  	_ =	shalt  }
0x5a: {  	_ =	shalt  }
0x5b: {  	_ =	shalt  }
0x5c: {  	_ =	shalt  }
0x5d: {  	_ =	shalt  }
0x5e: {  	_ =	shalt  }
0x5f: {  	_ =	shalt  }
0x60: {  	_ =	shalt  }
0x61: {  	_ =	shalt  }
0x62: {  	_ =	shalt  }
0x63: {  	_ =	shalt  }
0x64: {  	_ =	shalt  }
0x65: {  	_ =	shalt  }
0x66: {  	_ =	shalt  }
0x67: {  	_ =	shalt  }
0x68: {  	_ =	shalt  }
0x69: {  	_ =	shalt  }
0x6a: {  	_ =	shalt  }
0x6b: {  	_ =	shalt  }
0x6c: {  	_ =	shalt  }
0x6d: {  	_ =	shalt  }
0x6e: {  	_ =	shalt  }
0x6f: {  	_ =	shalt  }
0x70: {  	_ =	shalt  }
0x71: {  	_ =	shalt  }
0x72: {  	_ =	shalt  }
0x73: {  	_ =	shalt  }
0x74: {  	_ =	shalt  }
0x75: {  	_ =	shalt  }
0x76: {  	_ =	shalt  }
0x77: {  	_ =	shalt  }
0x78: {  	_ =	shalt  }
0x79: {  	_ =	shalt  }
0x7a: {  	_ =	shalt  }
0x7b: {  	_ =	shalt  }
0x7c: {  	_ =	shalt  }
0x7d: {  	_ =	shalt  }
0x7e: {  	_ =	shalt  }
0x7f: {  	_ =	shalt  }
0x80: {  	_ =	shalt  }
0x81: {  	_ =	shalt  }
0x82: {  	_ =	shalt  }
0x83: {  	_ =	shalt  }
0x84: {  	_ =	shalt  }
0x85: {  	_ =	shalt  }
0x86: {  	_ =	shalt  }
0x87: {  	_ =	shalt  }
.Lfunc_end0:
.L_simem_size_0:
called_computation_lowered:
.L_overlay_start_0:
0x88: {  	s0 =	sld [smem:$0x3FD9]  }
0x89: {  	s1 =	sld [smem:$0x3FFE];
	_ =	sdelay $0x3  }
0x8a: {  	s0 =	sadd.s32 s1, s0  }
0x8b: {  	[smem:$0x3FC6] =	sst s0  }
0x8c: {  	_ = 	snop  }
0x8d: {  	(tm) =	ssettm $0x1  }
0x8e: {  	s15 =	sld [smem:$0x3FFB];
	_ =	sdelay $0x3  }
0x8f: {  	_ =	strace s15  }
0x90: {  	s0 =	sld [smem:$0x3FFC];
	_ =	sdelay $0x3  }
0x91: {  	_ =	strace s0  }
0x92: {  	s0 =	sld [smem:$0x3FFD];
	_ =	sdelay $0x3  }
0x93: {  	_ =	strace s0  }
0x94: {  	_ =	strace $0x8FFFFFFF  }
0x95: {  	s16 =	sld [smem:$0x3FDB];
	_ =	sdelay $0x1  }
0x96: {  	s17 =	simm.s32 $_scs_section_size  }
0x97: {  	s2 =	simm.s32 $_size__tile_overlayer_lowered;
	s3 =	simm.s32 $_tile_overlayer_lowered  }
0x98: {  	s20 =	simm.s32 $0x1BFF;
	s19 =	sshll.u32 s3, $0x1;
	s0 =	sadd.s32 s17, s16  }
0x99: {  	s4 =	simm.s32 $0x0;
	s18 =	sshll.u32 s2, $0x1;
	s2 =	sadd.s32 s19, s0  }
0x9a: {  	[timem:s4], [sflag:s20] =	dma.local [hbm:s2], s18  }
0x9b: {  	_ =	swait.ge [sflag:s20], s18  }
0x9c: {  	s1 =	ssub.s32 $0x0, s18;
	[sflag:s20] =	ssyncset.done $0x0  }
0x9d: {  	[sflag:s20] =	ssyncadd.s32 s1;
	_ =	sdelay $0x1  }
0x9e: {  	s21 =	simm.s32 $0x1B8B  }
0x9f: {  	_ =	swait.ge [sflag:s21], $0x1  }
0xa0: {  	[sflag:s21] =	ssyncset.done $0x0  }
0xa1: {  	s23 =	simm.s32 $0x1B8E;
	s22 =	sld [smem:$0x3FFE];
	[sflag:s21] =	ssyncadd.s32 $0xFFFFFFFF  }
0xa2: {  	s24 =	simm.s32 $execute0_lowered;
	[smem:$0x3FD2] =	sst s23  }
0xa3: {  	s2 =	sshll.u32 s24, $0x1;
	_ =	strace $0x80000046;
	[dreg:$0x1] =	wrdreg $0xFFFFFFFF  }
0xa4: {  	s25 =	simm.s32 $_size_execute0_lowered;
	s0 =	sadd.s32 s0, s2;
	[dreg:$0x0] =	wrdreg $0x0  }
0xa5: {  	s2 =	sshll.u32 s25, $0x1;
	[dreg:$0x2] =	wrdreg s0  }
0xa6: {  	[dreg:$0x3] =	wrdreg s2  }
0xa7: {  	[dreg:$0x4] =	wrdreg $0xC0  }
0xa8: {  	_ =	task [dreg:s4], $0x5FFFF  }
0xa9: {  	[dreg:$0x1] =	wrdreg $0xFFFFFFFF  }
0xaa: {  	[dreg:$0x0] =	wrdreg $0x60  }
0xab: {  	[dreg:$0x2] =	wrdreg s22  }
0xac: {  	[dreg:$0x3] =	wrdreg $0x9  }
0xad: {  	_ =	task.clear_ibuf [dreg:s4], $0x4FFFF;
	_ =	strace $0x90000046  }
0xae: {  	s26 =	simm.s32 $0x9;
	_ =	strace $0x80000048  }
0xaf: {  	_ =	swait.ge [sflag:s26], $0x1  }
0xb0: {  	[sflag:s26] =	ssyncadd.s32 $0xFFFFFFFF  }
0xb1: {  	_ =	strace $0x90000048  }
0xb2: {  	_ =	sfence  }
0xb3: {  	s28 =	sld [smem:$0x0];
	_ =	sdelay $0x1  }
0xb4: {  	s29 =	srdreg.scid  }
0xb5: {  	s30 =	sshll.u32 s29, $0xD;
	s31 =	sshrl.u32 s29, $0x2  }
0xb6: {  	s1 =	sand.u32 $0x1, s29;
	s2 =	sand.u32 $0x4000, s30;
	s0 =	sadd.s32 s31, s28  }
0xb7: {  	s1 =	sor.u32 s2, s1;
	s0 =	sshll.u32 s0, $0x11  }
0xb8: {  	s0 =	sor.u32 s0, s1  }
0xb9: {  	s0 =	sadd.s32 $0x8F2B, s0  }
0xba: {  	[sflag:s0] =	ssyncadd.remote.s32 $0x1  }
0xbb: {  	_ =	sfence.sel $0xFFFF  }
0xbc: {  	[dreg:$0x0] =	wrdreg $0xFFFFFFFF;
	(pc) =	sbr.abs _section_cstart, $3  }
0xbd: {  	[dreg:$0x1] =	wrdreg $0xFFFFFFFF  }
0xbe: {  	_ =	task.clear_ibuf [dreg:s4], $0x2FFFF;
	_ =	strace $0x9FFFFFFF  }
0xbf: {  	(tm) =	ssettm $0x7FFFFFFF  }
tec
execute0_lowered:
.L_overlay_start_1:
0x0: {  	(tag) =	ssettag $0x1  }
0x1: {  	s3 =	rddreg [dreg:$0x0];
	s1 =	stileid.u32  }
0x2: {  	s0 =	rddreg [dreg:$0x1];
	s2 =	simm.s32 $0x0;
	s4 =	sshll.u32 s1, $0x8  }
0x3: {  	[smem:$0x7FF] =	sst s2;
	s4 =	sadd.s32 s4, s3  }
0x4: {  	s29 =	simm.s32 $0x1;
	_ =	strace $0x80000047;
	s4 =	sadd.s32 $0x600, s4  }
0x5: {  	[tilespmem:s2], [sflag:$0x1] =	stream.linear.gather [hbm4b:s4+s2], $0x800, $0x38;
	[tilespmem:$0xC80] =	vst v63  }
0x6: {  	_ =	swait.ge [sflag:s29], $0x800  }
0x7: {  	[sflag:s29] =	ssyncset.done $0x0  }
0x8: {  	v1 =	vimm.f32 $0.0e+00;
	[sflag:s29] =	ssyncadd.s32 $0xFFFFF800  }
0x9: {  	[tilespmem:$0x800] =	vst v1  }
0xa: {  	[tilespmem:$0x810] =	vst v1  }
0xb: {  	[tilespmem:$0x820] =	vst v1  }
0xc: {  	[tilespmem:$0x830] =	vst v1  }
0xd: {  	[tilespmem:$0x840] =	vst v1  }
0xe: {  	[tilespmem:$0x850] =	vst v1  }
0xf: {  	[tilespmem:$0x860] =	vst v1  }
0x10: {  	[tilespmem:$0x870] =	vst v1  }
0x11: {  	[tilespmem:$0x880] =	vst v1  }
0x12: {  	[tilespmem:$0x890] =	vst v1  }
0x13: {  	[tilespmem:$0x8A0] =	vst v1  }
0x14: {  	[tilespmem:$0x8B0] =	vst v1  }
0x15: {  	[tilespmem:$0x8C0] =	vst v1  }
0x16: {  	[tilespmem:$0x8D0] =	vst v1  }
0x17: {  	[tilespmem:$0x8E0] =	vst v1  }
0x18: {  	[tilespmem:$0x8F0] =	vst v1  }
0x19: {  	[tilespmem:$0x900] =	vst v1  }
0x1a: {  	[tilespmem:$0x910] =	vst v1  }
0x1b: {  	[tilespmem:$0x920] =	vst v1  }
0x1c: {  	[tilespmem:$0x930] =	vst v1  }
0x1d: {  	[tilespmem:$0x940] =	vst v1  }
0x1e: {  	[tilespmem:$0x950] =	vst v1  }
0x1f: {  	[tilespmem:$0x960] =	vst v1  }
0x20: {  	[tilespmem:$0x970] =	vst v1  }
0x21: {  	[tilespmem:$0x980] =	vst v1  }
0x22: {  	[tilespmem:$0x990] =	vst v1  }
0x23: {  	[tilespmem:$0x9A0] =	vst v1  }
0x24: {  	[tilespmem:$0x9B0] =	vst v1  }
0x25: {  	[tilespmem:$0x9C0] =	vst v1  }
0x26: {  	[tilespmem:$0x9D0] =	vst v1  }
0x27: {  	[tilespmem:$0x9E0] =	vst v1  }
0x28: {  	[tilespmem:$0x9F0] =	vst v1  }
0x29: {  	[tilespmem:$0xA00] =	vst v1  }
0x2a: {  	[tilespmem:$0xA10] =	vst v1  }
0x2b: {  	[tilespmem:$0xA20] =	vst v1  }
0x2c: {  	[tilespmem:$0xA30] =	vst v1  }
0x2d: {  	[tilespmem:$0xA40] =	vst v1  }
0x2e: {  	[tilespmem:$0xA50] =	vst v1  }
0x2f: {  	[tilespmem:$0xA60] =	vst v1  }
0x30: {  	[tilespmem:$0xA70] =	vst v1  }
0x31: {  	[tilespmem:$0xA80] =	vst v1  }
0x32: {  	[tilespmem:$0xA90] =	vst v1  }
0x33: {  	[tilespmem:$0xAA0] =	vst v1  }
0x34: {  	[tilespmem:$0xAB0] =	vst v1  }
0x35: {  	[tilespmem:$0xAC0] =	vst v1  }
0x36: {  	[tilespmem:$0xAD0] =	vst v1  }
0x37: {  	[tilespmem:$0xAE0] =	vst v1  }
0x38: {  	[tilespmem:$0xAF0] =	vst v1  }
0x39: {  	[tilespmem:$0xB00] =	vst v1  }
0x3a: {  	[tilespmem:$0xB10] =	vst v1  }
0x3b: {  	[tilespmem:$0xB20] =	vst v1  }
0x3c: {  	[tilespmem:$0xB30] =	vst v1  }
0x3d: {  	[tilespmem:$0xB40] =	vst v1  }
0x3e: {  	[tilespmem:$0xB50] =	vst v1  }
0x3f: {  	[tilespmem:$0xB60] =	vst v1;
	v2 =	vld [tilespmem:$0x0]  }
0x40: {  	[tilespmem:$0xB70] =	vst v1  }
0x41: {  	v0 =	vlaneseq.u32;
	[tilespmem:$0xB80] =	vst v1  }
0x42: {  	v0 =	vmul.u32 $0x40, v0;
	[tilespmem:$0xB90] =	vst v1  }
0x43: {  	[tilespmem:$0xBA0] =	vst v1  }
0x44: {  	[tilespmem:$0xBB0] =	vst v1;
	v2 =	vadd.s32 v0, v2  }
0x45: {  	[tilespmem:$0xBC0] =	vst v1  }
0x46: {  	[tilespmem:$0xBD0] =	vst v1  }
0x47: {  	[tilespmem:$0xBE0] =	vst v1  }
0x48: {  	v56 =	vimm.f32 $1.000000000e+00;
	s5 =	simm.s32 $0x800;
	[tilespmem:$0xBF0] =	vst v1  }
0x49: {  	[tilespmem:v2+s5+$0x0] =	vst.idx.add.f32.msk $0xffff, v56  }
0x4a: {  	v2 =	vld [tilespmem:$0x10];
	_ =	sdelay $0x4  }
0x4b: {  	v2 =	vadd.s32 v0, v2;
	_ =	sdelay $0x4  }
0x4c: {  	[tilespmem:v2+s5+$0x0] =	vst.idx.add.f32.msk $0xffff, v56  }
0x4d: {  	v2 =	vld [tilespmem:$0x20];
	_ =	sdelay $0x4  }
0x4e: {  	v2 =	vadd.s32 v0, v2;
	_ =	sdelay $0x4  }
0x4f: {  	[tilespmem:v2+s5+$0x0] =	vst.idx.add.f32.msk $0xffff, v56  }
0x50: {  	v2 =	vld [tilespmem:$0x30];
	_ =	sdelay $0x4  }
0x51: {  	v2 =	vadd.s32 v0, v2;
	_ =	sdelay $0x4  }
0x52: {  	[tilespmem:v2+s5+$0x0] =	vst.idx.add.f32.msk $0xffff, v56  }
0x53: {  	v2 =	vld [tilespmem:$0x40];
	_ =	sdelay $0x4  }
0x54: {  	v2 =	vadd.s32 v0, v2;
	_ =	sdelay $0x4  }
0x55: {  	[tilespmem:v2+s5+$0x0] =	vst.idx.add.f32.msk $0xffff, v56  }
0x56: {  	v2 =	vld [tilespmem:$0x50];
	_ =	sdelay $0x4  }
0x57: {  	v2 =	vadd.s32 v0, v2;
	_ =	sdelay $0x4  }
0x58: {  	[tilespmem:v2+s5+$0x0] =	vst.idx.add.f32.msk $0xffff, v56  }
0x59: {  	v2 =	vld [tilespmem:$0x60];
	_ =	sdelay $0x4  }
0x5a: {  	v2 =	vadd.s32 v0, v2;
	_ =	sdelay $0x4  }
0x5b: {  	[tilespmem:v2+s5+$0x0] =	vst.idx.add.f32.msk $0xffff, v56  }
0x5c: {  	v2 =	vld [tilespmem:$0x70];
	_ =	sdelay $0x4  }
0x5d: {  	v2 =	vadd.s32 v0, v2;
	_ =	sdelay $0x4  }
0x5e: {  	[tilespmem:v2+s5+$0x0] =	vst.idx.add.f32.msk $0xffff, v56  }
0x5f: {  	v2 =	vld [tilespmem:$0x80];
	_ =	sdelay $0x4  }
0x60: {  	v2 =	vadd.s32 v0, v2;
	_ =	sdelay $0x4  }
0x61: {  	[tilespmem:v2+s5+$0x0] =	vst.idx.add.f32.msk $0xffff, v56  }
0x62: {  	v2 =	vld [tilespmem:$0x90];
	_ =	sdelay $0x4  }
0x63: {  	v2 =	vadd.s32 v0, v2;
	_ =	sdelay $0x4  }
0x64: {  	[tilespmem:v2+s5+$0x0] =	vst.idx.add.f32.msk $0xffff, v56  }
0x65: {  	v2 =	vld [tilespmem:$0xA0];
	_ =	sdelay $0x4  }
0x66: {  	v2 =	vadd.s32 v0, v2;
	_ =	sdelay $0x4  }
0x67: {  	[tilespmem:v2+s5+$0x0] =	vst.idx.add.f32.msk $0xffff, v56  }
0x68: {  	v2 =	vld [tilespmem:$0xB0];
	_ =	sdelay $0x4  }
0x69: {  	v2 =	vadd.s32 v0, v2;
	_ =	sdelay $0x4  }
0x6a: {  	[tilespmem:v2+s5+$0x0] =	vst.idx.add.f32.msk $0xffff, v56  }
0x6b: {  	v2 =	vld [tilespmem:$0xC0];
	_ =	sdelay $0x4  }
0x6c: {  	v2 =	vadd.s32 v0, v2;
	_ =	sdelay $0x4  }
0x6d: {  	[tilespmem:v2+s5+$0x0] =	vst.idx.add.f32.msk $0xffff, v56  }
0x6e: {  	v2 =	vld [tilespmem:$0xD0];
	_ =	sdelay $0x4  }
0x6f: {  	v2 =	vadd.s32 v0, v2;
	_ =	sdelay $0x4  }
0x70: {  	[tilespmem:v2+s5+$0x0] =	vst.idx.add.f32.msk $0xffff, v56  }
0x71: {  	v2 =	vld [tilespmem:$0xE0];
	_ =	sdelay $0x4  }
0x72: {  	v2 =	vadd.s32 v0, v2;
	_ =	sdelay $0x4  }
0x73: {  	[tilespmem:v2+s5+$0x0] =	vst.idx.add.f32.msk $0xffff, v56  }
0x74: {  	v2 =	vld [tilespmem:$0xF0];
	_ =	sdelay $0x4  }
0x75: {  	v2 =	vadd.s32 v0, v2;
	_ =	sdelay $0x4  }
0x76: {  	[tilespmem:v2+s5+$0x0] =	vst.idx.add.f32.msk $0xffff, v56  }
0x77: {  	v2 =	vld [tilespmem:$0x100];
	_ =	sdelay $0x4  }
0x78: {  	v2 =	vadd.s32 v0, v2;
	_ =	sdelay $0x4  }
0x79: {  	[tilespmem:v2+s5+$0x0] =	vst.idx.add.f32.msk $0xffff, v56  }
0x7a: {  	v2 =	vld [tilespmem:$0x110];
	_ =	sdelay $0x4  }
0x7b: {  	v2 =	vadd.s32 v0, v2;
	_ =	sdelay $0x4  }
0x7c: {  	[tilespmem:v2+s5+$0x0] =	vst.idx.add.f32.msk $0xffff, v56  }
0x7d: {  	v2 =	vld [tilespmem:$0x120];
	_ =	sdelay $0x4  }
0x7e: {  	v2 =	vadd.s32 v0, v2;
	_ =	sdelay $0x4  }
0x7f: {  	[tilespmem:v2+s5+$0x0] =	vst.idx.add.f32.msk $0xffff, v56  }
0x80: {  	v2 =	vld [tilespmem:$0x130];
	_ =	sdelay $0x4  }
0x81: {  	v2 =	vadd.s32 v0, v2;
	_ =	sdelay $0x4  }
0x82: {  	[tilespmem:v2+s5+$0x0] =	vst.idx.add.f32.msk $0xffff, v56  }
0x83: {  	v2 =	vld [tilespmem:$0x140];
	_ =	sdelay $0x4  }
0x84: {  	v2 =	vadd.s32 v0, v2;
	_ =	sdelay $0x4  }
0x85: {  	[tilespmem:v2+s5+$0x0] =	vst.idx.add.f32.msk $0xffff, v56  }
0x86: {  	v2 =	vld [tilespmem:$0x150];
	_ =	sdelay $0x4  }
0x87: {  	v2 =	vadd.s32 v0, v2;
	_ =	sdelay $0x4  }
0x88: {  	[tilespmem:v2+s5+$0x0] =	vst.idx.add.f32.msk $0xffff, v56  }
0x89: {  	v2 =	vld [tilespmem:$0x160];
	_ =	sdelay $0x4  }
0x8a: {  	v2 =	vadd.s32 v0, v2;
	_ =	sdelay $0x4  }
0x8b: {  	[tilespmem:v2+s5+$0x0] =	vst.idx.add.f32.msk $0xffff, v56  }
0x8c: {  	v2 =	vld [tilespmem:$0x170];
	_ =	sdelay $0x4  }
0x8d: {  	v2 =	vadd.s32 v0, v2;
	_ =	sdelay $0x4  }
0x8e: {  	[tilespmem:v2+s5+$0x0] =	vst.idx.add.f32.msk $0xffff, v56  }
0x8f: {  	v2 =	vld [tilespmem:$0x180];
	_ =	sdelay $0x4  }
0x90: {  	v2 =	vadd.s32 v0, v2;
	_ =	sdelay $0x4  }
0x91: {  	[tilespmem:v2+s5+$0x0] =	vst.idx.add.f32.msk $0xffff, v56  }
0x92: {  	v2 =	vld [tilespmem:$0x190];
	_ =	sdelay $0x4  }
0x93: {  	v2 =	vadd.s32 v0, v2;
	_ =	sdelay $0x4  }
0x94: {  	[tilespmem:v2+s5+$0x0] =	vst.idx.add.f32.msk $0xffff, v56  }
0x95: {  	v2 =	vld [tilespmem:$0x1A0];
	_ =	sdelay $0x4  }
0x96: {  	v2 =	vadd.s32 v0, v2;
	_ =	sdelay $0x4  }
0x97: {  	[tilespmem:v2+s5+$0x0] =	vst.idx.add.f32.msk $0xffff, v56  }
0x98: {  	v2 =	vld [tilespmem:$0x1B0];
	_ =	sdelay $0x4  }
0x99: {  	v2 =	vadd.s32 v0, v2;
	_ =	sdelay $0x4  }
0x9a: {  	[tilespmem:v2+s5+$0x0] =	vst.idx.add.f32.msk $0xffff, v56  }
0x9b: {  	v2 =	vld [tilespmem:$0x1C0];
	_ =	sdelay $0x4  }
0x9c: {  	v2 =	vadd.s32 v0, v2;
	_ =	sdelay $0x4  }
0x9d: {  	[tilespmem:v2+s5+$0x0] =	vst.idx.add.f32.msk $0xffff, v56  }
0x9e: {  	v2 =	vld [tilespmem:$0x1D0];
	_ =	sdelay $0x4  }
0x9f: {  	v2 =	vadd.s32 v0, v2;
	_ =	sdelay $0x4  }
0xa0: {  	[tilespmem:v2+s5+$0x0] =	vst.idx.add.f32.msk $0xffff, v56  }
0xa1: {  	v2 =	vld [tilespmem:$0x1E0];
	_ =	sdelay $0x4  }
0xa2: {  	v2 =	vadd.s32 v0, v2;
	_ =	sdelay $0x4  }
0xa3: {  	[tilespmem:v2+s5+$0x0] =	vst.idx.add.f32.msk $0xffff, v56  }
0xa4: {  	v2 =	vld [tilespmem:$0x1F0];
	_ =	sdelay $0x4  }
0xa5: {  	v2 =	vadd.s32 v0, v2;
	_ =	sdelay $0x4  }
0xa6: {  	[tilespmem:v2+s5+$0x0] =	vst.idx.add.f32.msk $0xffff, v56  }
0xa7: {  	v2 =	vld [tilespmem:$0x200];
	_ =	sdelay $0x4  }
0xa8: {  	v2 =	vadd.s32 v0, v2;
	_ =	sdelay $0x4  }
0xa9: {  	[tilespmem:v2+s5+$0x0] =	vst.idx.add.f32.msk $0xffff, v56  }
0xaa: {  	v2 =	vld [tilespmem:$0x210];
	_ =	sdelay $0x4  }
0xab: {  	v2 =	vadd.s32 v0, v2;
	_ =	sdelay $0x4  }
0xac: {  	[tilespmem:v2+s5+$0x0] =	vst.idx.add.f32.msk $0xffff, v56  }
0xad: {  	v2 =	vld [tilespmem:$0x220];
	_ =	sdelay $0x4  }
0xae: {  	v2 =	vadd.s32 v0, v2;
	_ =	sdelay $0x4  }
0xaf: {  	[tilespmem:v2+s5+$0x0] =	vst.idx.add.f32.msk $0xffff, v56  }
0xb0: {  	v2 =	vld [tilespmem:$0x230];
	_ =	sdelay $0x4  }
0xb1: {  	v2 =	vadd.s32 v0, v2;
	_ =	sdelay $0x4  }
0xb2: {  	[tilespmem:v2+s5+$0x0] =	vst.idx.add.f32.msk $0xffff, v56  }
0xb3: {  	v2 =	vld [tilespmem:$0x240];
	_ =	sdelay $0x4  }
0xb4: {  	v2 =	vadd.s32 v0, v2;
	_ =	sdelay $0x4  }
0xb5: {  	[tilespmem:v2+s5+$0x0] =	vst.idx.add.f32.msk $0xffff, v56  }
0xb6: {  	v2 =	vld [tilespmem:$0x250];
	_ =	sdelay $0x4  }
0xb7: {  	v2 =	vadd.s32 v0, v2;
	_ =	sdelay $0x4  }
0xb8: {  	[tilespmem:v2+s5+$0x0] =	vst.idx.add.f32.msk $0xffff, v56  }
0xb9: {  	v2 =	vld [tilespmem:$0x260];
	_ =	sdelay $0x4  }
0xba: {  	v2 =	vadd.s32 v0, v2;
	_ =	sdelay $0x4  }
0xbb: {  	[tilespmem:v2+s5+$0x0] =	vst.idx.add.f32.msk $0xffff, v56  }
0xbc: {  	v2 =	vld [tilespmem:$0x270];
	_ =	sdelay $0x4  }
0xbd: {  	v2 =	vadd.s32 v0, v2;
	_ =	sdelay $0x4  }
0xbe: {  	[tilespmem:v2+s5+$0x0] =	vst.idx.add.f32.msk $0xffff, v56  }
0xbf: {  	v2 =	vld [tilespmem:$0x280];
	_ =	sdelay $0x4  }
0xc0: {  	v2 =	vadd.s32 v0, v2;
	_ =	sdelay $0x4  }
0xc1: {  	[tilespmem:v2+s5+$0x0] =	vst.idx.add.f32.msk $0xffff, v56  }
0xc2: {  	v2 =	vld [tilespmem:$0x290];
	_ =	sdelay $0x4  }
0xc3: {  	v2 =	vadd.s32 v0, v2;
	_ =	sdelay $0x4  }
0xc4: {  	[tilespmem:v2+s5+$0x0] =	vst.idx.add.f32.msk $0xffff, v56  }
0xc5: {  	v2 =	vld [tilespmem:$0x2A0];
	_ =	sdelay $0x4  }
0xc6: {  	v2 =	vadd.s32 v0, v2;
	_ =	sdelay $0x4  }
0xc7: {  	[tilespmem:v2+s5+$0x0] =	vst.idx.add.f32.msk $0xffff, v56  }
0xc8: {  	v2 =	vld [tilespmem:$0x2B0];
	_ =	sdelay $0x4  }
0xc9: {  	v2 =	vadd.s32 v0, v2;
	_ =	sdelay $0x4  }
0xca: {  	[tilespmem:v2+s5+$0x0] =	vst.idx.add.f32.msk $0xffff, v56  }
0xcb: {  	v2 =	vld [tilespmem:$0x2C0];
	_ =	sdelay $0x4  }
0xcc: {  	v2 =	vadd.s32 v0, v2;
	_ =	sdelay $0x4  }
0xcd: {  	[tilespmem:v2+s5+$0x0] =	vst.idx.add.f32.msk $0xffff, v56  }
0xce: {  	v2 =	vld [tilespmem:$0x2D0];
	_ =	sdelay $0x4  }
0xcf: {  	v2 =	vadd.s32 v0, v2;
	_ =	sdelay $0x4  }
0xd0: {  	[tilespmem:v2+s5+$0x0] =	vst.idx.add.f32.msk $0xffff, v56  }
0xd1: {  	v2 =	vld [tilespmem:$0x2E0];
	_ =	sdelay $0x4  }
0xd2: {  	v2 =	vadd.s32 v0, v2;
	_ =	sdelay $0x4  }
0xd3: {  	[tilespmem:v2+s5+$0x0] =	vst.idx.add.f32.msk $0xffff, v56  }
0xd4: {  	v2 =	vld [tilespmem:$0x2F0];
	_ =	sdelay $0x4  }
0xd5: {  	v2 =	vadd.s32 v0, v2;
	_ =	sdelay $0x4  }
0xd6: {  	[tilespmem:v2+s5+$0x0] =	vst.idx.add.f32.msk $0xffff, v56  }
0xd7: {  	v2 =	vld [tilespmem:$0x300];
	_ =	sdelay $0x4  }
0xd8: {  	v2 =	vadd.s32 v0, v2;
	_ =	sdelay $0x4  }
0xd9: {  	[tilespmem:v2+s5+$0x0] =	vst.idx.add.f32.msk $0xffff, v56  }
0xda: {  	v2 =	vld [tilespmem:$0x310];
	_ =	sdelay $0x4  }
0xdb: {  	v2 =	vadd.s32 v0, v2;
	_ =	sdelay $0x4  }
0xdc: {  	[tilespmem:v2+s5+$0x0] =	vst.idx.add.f32.msk $0xffff, v56  }
0xdd: {  	v2 =	vld [tilespmem:$0x320];
	_ =	sdelay $0x4  }
0xde: {  	v2 =	vadd.s32 v0, v2;
	_ =	sdelay $0x4  }
0xdf: {  	[tilespmem:v2+s5+$0x0] =	vst.idx.add.f32.msk $0xffff, v56  }
0xe0: {  	v2 =	vld [tilespmem:$0x330];
	_ =	sdelay $0x4  }
0xe1: {  	v2 =	vadd.s32 v0, v2;
	_ =	sdelay $0x4  }
0xe2: {  	[tilespmem:v2+s5+$0x0] =	vst.idx.add.f32.msk $0xffff, v56  }
0xe3: {  	v2 =	vld [tilespmem:$0x340];
	_ =	sdelay $0x4  }
0xe4: {  	v2 =	vadd.s32 v0, v2;
	_ =	sdelay $0x4  }
0xe5: {  	[tilespmem:v2+s5+$0x0] =	vst.idx.add.f32.msk $0xffff, v56  }
0xe6: {  	v2 =	vld [tilespmem:$0x350];
	_ =	sdelay $0x4  }
0xe7: {  	v2 =	vadd.s32 v0, v2;
	_ =	sdelay $0x4  }
0xe8: {  	[tilespmem:v2+s5+$0x0] =	vst.idx.add.f32.msk $0xffff, v56  }
0xe9: {  	v2 =	vld [tilespmem:$0x360];
	_ =	sdelay $0x4  }
0xea: {  	v2 =	vadd.s32 v0, v2;
	_ =	sdelay $0x4  }
0xeb: {  	[tilespmem:v2+s5+$0x0] =	vst.idx.add.f32.msk $0xffff, v56  }
0xec: {  	v2 =	vld [tilespmem:$0x370];
	_ =	sdelay $0x4  }
0xed: {  	v2 =	vadd.s32 v0, v2;
	_ =	sdelay $0x4  }
0xee: {  	[tilespmem:v2+s5+$0x0] =	vst.idx.add.f32.msk $0xffff, v56  }
0xef: {  	v2 =	vld [tilespmem:$0x380];
	_ =	sdelay $0x4  }
0xf0: {  	v2 =	vadd.s32 v0, v2;
	_ =	sdelay $0x4  }
0xf1: {  	[tilespmem:v2+s5+$0x0] =	vst.idx.add.f32.msk $0xffff, v56  }
0xf2: {  	v2 =	vld [tilespmem:$0x390];
	_ =	sdelay $0x4  }
0xf3: {  	v2 =	vadd.s32 v0, v2;
	_ =	sdelay $0x4  }
0xf4: {  	[tilespmem:v2+s5+$0x0] =	vst.idx.add.f32.msk $0xffff, v56  }
0xf5: {  	v2 =	vld [tilespmem:$0x3A0];
	_ =	sdelay $0x4  }
0xf6: {  	v2 =	vadd.s32 v0, v2;
	_ =	sdelay $0x4  }
0xf7: {  	[tilespmem:v2+s5+$0x0] =	vst.idx.add.f32.msk $0xffff, v56  }
0xf8: {  	v2 =	vld [tilespmem:$0x3B0];
	_ =	sdelay $0x4  }
0xf9: {  	v2 =	vadd.s32 v0, v2;
	_ =	sdelay $0x4  }
0xfa: {  	[tilespmem:v2+s5+$0x0] =	vst.idx.add.f32.msk $0xffff, v56  }
0xfb: {  	v2 =	vld [tilespmem:$0x3C0];
	_ =	sdelay $0x4  }
0xfc: {  	v2 =	vadd.s32 v0, v2;
	_ =	sdelay $0x4  }
0xfd: {  	[tilespmem:v2+s5+$0x0] =	vst.idx.add.f32.msk $0xffff, v56  }
0xfe: {  	v2 =	vld [tilespmem:$0x3D0];
	_ =	sdelay $0x4  }
0xff: {  	v2 =	vadd.s32 v0, v2;
	_ =	sdelay $0x4  }
0x100: {  	[tilespmem:v2+s5+$0x0] =	vst.idx.add.f32.msk $0xffff, v56  }
0x101: {  	v2 =	vld [tilespmem:$0x3E0];
	_ =	sdelay $0x4  }
0x102: {  	v2 =	vadd.s32 v0, v2;
	_ =	sdelay $0x4  }
0x103: {  	[tilespmem:v2+s5+$0x0] =	vst.idx.add.f32.msk $0xffff, v56  }
0x104: {  	v2 =	vld [tilespmem:$0x3F0];
	_ =	sdelay $0x4  }
0x105: {  	v2 =	vadd.s32 v0, v2;
	_ =	sdelay $0x4  }
0x106: {  	[tilespmem:v2+s5+$0x0] =	vst.idx.add.f32.msk $0xffff, v56  }
0x107: {  	v2 =	vld [tilespmem:$0x400];
	_ =	sdelay $0x4  }
0x108: {  	v2 =	vadd.s32 v0, v2;
	_ =	sdelay $0x4  }
0x109: {  	[tilespmem:v2+s5+$0x0] =	vst.idx.add.f32.msk $0xffff, v56  }
0x10a: {  	v2 =	vld [tilespmem:$0x410];
	_ =	sdelay $0x4  }
0x10b: {  	v2 =	vadd.s32 v0, v2;
	_ =	sdelay $0x4  }
0x10c: {  	[tilespmem:v2+s5+$0x0] =	vst.idx.add.f32.msk $0xffff, v56  }
0x10d: {  	v2 =	vld [tilespmem:$0x420];
	_ =	sdelay $0x4  }
0x10e: {  	v2 =	vadd.s32 v0, v2;
	_ =	sdelay $0x4  }
0x10f: {  	[tilespmem:v2+s5+$0x0] =	vst.idx.add.f32.msk $0xffff, v56  }
0x110: {  	v2 =	vld [tilespmem:$0x430];
	_ =	sdelay $0x4  }
0x111: {  	v2 =	vadd.s32 v0, v2;
	_ =	sdelay $0x4  }
0x112: {  	[tilespmem:v2+s5+$0x0] =	vst.idx.add.f32.msk $0xffff, v56  }
0x113: {  	v2 =	vld [tilespmem:$0x440];
	_ =	sdelay $0x4  }
0x114: {  	v2 =	vadd.s32 v0, v2;
	_ =	sdelay $0x4  }
0x115: {  	[tilespmem:v2+s5+$0x0] =	vst.idx.add.f32.msk $0xffff, v56  }
0x116: {  	v2 =	vld [tilespmem:$0x450];
	_ =	sdelay $0x4  }
0x117: {  	v2 =	vadd.s32 v0, v2;
	_ =	sdelay $0x4  }
0x118: {  	[tilespmem:v2+s5+$0x0] =	vst.idx.add.f32.msk $0xffff, v56  }
0x119: {  	v2 =	vld [tilespmem:$0x460];
	_ =	sdelay $0x4  }
0x11a: {  	v2 =	vadd.s32 v0, v2;
	_ =	sdelay $0x4  }
0x11b: {  	[tilespmem:v2+s5+$0x0] =	vst.idx.add.f32.msk $0xffff, v56  }
0x11c: {  	v2 =	vld [tilespmem:$0x470];
	_ =	sdelay $0x4  }
0x11d: {  	v2 =	vadd.s32 v0, v2;
	_ =	sdelay $0x4  }
0x11e: {  	[tilespmem:v2+s5+$0x0] =	vst.idx.add.f32.msk $0xffff, v56  }
0x11f: {  	v2 =	vld [tilespmem:$0x480];
	_ =	sdelay $0x4  }
0x120: {  	v2 =	vadd.s32 v0, v2;
	_ =	sdelay $0x4  }
0x121: {  	[tilespmem:v2+s5+$0x0] =	vst.idx.add.f32.msk $0xffff, v56  }
0x122: {  	v2 =	vld [tilespmem:$0x490];
	_ =	sdelay $0x4  }
0x123: {  	v2 =	vadd.s32 v0, v2;
	_ =	sdelay $0x4  }
0x124: {  	[tilespmem:v2+s5+$0x0] =	vst.idx.add.f32.msk $0xffff, v56  }
0x125: {  	v2 =	vld [tilespmem:$0x4A0];
	_ =	sdelay $0x4  }
0x126: {  	v2 =	vadd.s32 v0, v2;
	_ =	sdelay $0x4  }
0x127: {  	[tilespmem:v2+s5+$0x0] =	vst.idx.add.f32.msk $0xffff, v56  }
0x128: {  	v2 =	vld [tilespmem:$0x4B0];
	_ =	sdelay $0x4  }
0x129: {  	v2 =	vadd.s32 v0, v2;
	_ =	sdelay $0x4  }
0x12a: {  	[tilespmem:v2+s5+$0x0] =	vst.idx.add.f32.msk $0xffff, v56  }
0x12b: {  	v2 =	vld [tilespmem:$0x4C0];
	_ =	sdelay $0x4  }
0x12c: {  	v2 =	vadd.s32 v0, v2;
	_ =	sdelay $0x4  }
0x12d: {  	[tilespmem:v2+s5+$0x0] =	vst.idx.add.f32.msk $0xffff, v56  }
0x12e: {  	v2 =	vld [tilespmem:$0x4D0];
	_ =	sdelay $0x4  }
0x12f: {  	v2 =	vadd.s32 v0, v2;
	_ =	sdelay $0x4  }
0x130: {  	[tilespmem:v2+s5+$0x0] =	vst.idx.add.f32.msk $0xffff, v56  }
0x131: {  	v2 =	vld [tilespmem:$0x4E0];
	_ =	sdelay $0x4  }
0x132: {  	v2 =	vadd.s32 v0, v2;
	_ =	sdelay $0x4  }
0x133: {  	[tilespmem:v2+s5+$0x0] =	vst.idx.add.f32.msk $0xffff, v56  }
0x134: {  	v2 =	vld [tilespmem:$0x4F0];
	_ =	sdelay $0x4  }
0x135: {  	v2 =	vadd.s32 v0, v2;
	_ =	sdelay $0x4  }
0x136: {  	[tilespmem:v2+s5+$0x0] =	vst.idx.add.f32.msk $0xffff, v56  }
0x137: {  	v2 =	vld [tilespmem:$0x500];
	_ =	sdelay $0x4  }
0x138: {  	v2 =	vadd.s32 v0, v2;
	_ =	sdelay $0x4  }
0x139: {  	[tilespmem:v2+s5+$0x0] =	vst.idx.add.f32.msk $0xffff, v56  }
0x13a: {  	v2 =	vld [tilespmem:$0x510];
	_ =	sdelay $0x4  }
0x13b: {  	v2 =	vadd.s32 v0, v2;
	_ =	sdelay $0x4  }
0x13c: {  	[tilespmem:v2+s5+$0x0] =	vst.idx.add.f32.msk $0xffff, v56  }
0x13d: {  	v2 =	vld [tilespmem:$0x520];
	_ =	sdelay $0x4  }
0x13e: {  	v2 =	vadd.s32 v0, v2;
	_ =	sdelay $0x4  }
0x13f: {  	[tilespmem:v2+s5+$0x0] =	vst.idx.add.f32.msk $0xffff, v56  }
0x140: {  	v2 =	vld [tilespmem:$0x530];
	_ =	sdelay $0x4  }
0x141: {  	v2 =	vadd.s32 v0, v2;
	_ =	sdelay $0x4  }
0x142: {  	[tilespmem:v2+s5+$0x0] =	vst.idx.add.f32.msk $0xffff, v56  }
0x143: {  	v2 =	vld [tilespmem:$0x540];
	_ =	sdelay $0x4  }
0x144: {  	v2 =	vadd.s32 v0, v2;
	_ =	sdelay $0x4  }
0x145: {  	[tilespmem:v2+s5+$0x0] =	vst.idx.add.f32.msk $0xffff, v56  }
0x146: {  	v2 =	vld [tilespmem:$0x550];
	_ =	sdelay $0x4  }
0x147: {  	v2 =	vadd.s32 v0, v2;
	_ =	sdelay $0x4  }
0x148: {  	[tilespmem:v2+s5+$0x0] =	vst.idx.add.f32.msk $0xffff, v56  }
0x149: {  	v2 =	vld [tilespmem:$0x560];
	_ =	sdelay $0x4  }
0x14a: {  	v2 =	vadd.s32 v0, v2;
	_ =	sdelay $0x4  }
0x14b: {  	[tilespmem:v2+s5+$0x0] =	vst.idx.add.f32.msk $0xffff, v56  }
0x14c: {  	v2 =	vld [tilespmem:$0x570];
	_ =	sdelay $0x4  }
0x14d: {  	v2 =	vadd.s32 v0, v2;
	_ =	sdelay $0x4  }
0x14e: {  	[tilespmem:v2+s5+$0x0] =	vst.idx.add.f32.msk $0xffff, v56  }
0x14f: {  	v2 =	vld [tilespmem:$0x580];
	_ =	sdelay $0x4  }
0x150: {  	v2 =	vadd.s32 v0, v2;
	_ =	sdelay $0x4  }
0x151: {  	[tilespmem:v2+s5+$0x0] =	vst.idx.add.f32.msk $0xffff, v56  }
0x152: {  	v2 =	vld [tilespmem:$0x590];
	_ =	sdelay $0x4  }
0x153: {  	v2 =	vadd.s32 v0, v2;
	_ =	sdelay $0x4  }
0x154: {  	[tilespmem:v2+s5+$0x0] =	vst.idx.add.f32.msk $0xffff, v56  }
0x155: {  	v2 =	vld [tilespmem:$0x5A0];
	_ =	sdelay $0x4  }
0x156: {  	v2 =	vadd.s32 v0, v2;
	_ =	sdelay $0x4  }
0x157: {  	[tilespmem:v2+s5+$0x0] =	vst.idx.add.f32.msk $0xffff, v56  }
0x158: {  	v2 =	vld [tilespmem:$0x5B0];
	_ =	sdelay $0x4  }
0x159: {  	v2 =	vadd.s32 v0, v2;
	_ =	sdelay $0x4  }
0x15a: {  	[tilespmem:v2+s5+$0x0] =	vst.idx.add.f32.msk $0xffff, v56  }
0x15b: {  	v2 =	vld [tilespmem:$0x5C0];
	_ =	sdelay $0x4  }
0x15c: {  	v2 =	vadd.s32 v0, v2;
	_ =	sdelay $0x4  }
0x15d: {  	[tilespmem:v2+s5+$0x0] =	vst.idx.add.f32.msk $0xffff, v56  }
0x15e: {  	v2 =	vld [tilespmem:$0x5D0];
	_ =	sdelay $0x4  }
0x15f: {  	v2 =	vadd.s32 v0, v2;
	_ =	sdelay $0x4  }
0x160: {  	[tilespmem:v2+s5+$0x0] =	vst.idx.add.f32.msk $0xffff, v56  }
0x161: {  	v2 =	vld [tilespmem:$0x5E0];
	_ =	sdelay $0x4  }
0x162: {  	v2 =	vadd.s32 v0, v2;
	_ =	sdelay $0x4  }
0x163: {  	[tilespmem:v2+s5+$0x0] =	vst.idx.add.f32.msk $0xffff, v56  }
0x164: {  	v2 =	vld [tilespmem:$0x5F0];
	_ =	sdelay $0x4  }
0x165: {  	v2 =	vadd.s32 v0, v2;
	_ =	sdelay $0x4  }
0x166: {  	[tilespmem:v2+s5+$0x0] =	vst.idx.add.f32.msk $0xffff, v56  }
0x167: {  	v2 =	vld [tilespmem:$0x600];
	_ =	sdelay $0x4  }
0x168: {  	v2 =	vadd.s32 v0, v2;
	_ =	sdelay $0x4  }
0x169: {  	[tilespmem:v2+s5+$0x0] =	vst.idx.add.f32.msk $0xffff, v56  }
0x16a: {  	v2 =	vld [tilespmem:$0x610];
	_ =	sdelay $0x4  }
0x16b: {  	v2 =	vadd.s32 v0, v2;
	_ =	sdelay $0x4  }
0x16c: {  	[tilespmem:v2+s5+$0x0] =	vst.idx.add.f32.msk $0xffff, v56  }
0x16d: {  	v2 =	vld [tilespmem:$0x620];
	_ =	sdelay $0x4  }
0x16e: {  	v2 =	vadd.s32 v0, v2;
	_ =	sdelay $0x4  }
0x16f: {  	[tilespmem:v2+s5+$0x0] =	vst.idx.add.f32.msk $0xffff, v56  }
0x170: {  	v2 =	vld [tilespmem:$0x630];
	_ =	sdelay $0x4  }
0x171: {  	v2 =	vadd.s32 v0, v2;
	_ =	sdelay $0x4  }
0x172: {  	[tilespmem:v2+s5+$0x0] =	vst.idx.add.f32.msk $0xffff, v56  }
0x173: {  	v2 =	vld [tilespmem:$0x640];
	_ =	sdelay $0x4  }
0x174: {  	v2 =	vadd.s32 v0, v2;
	_ =	sdelay $0x4  }
0x175: {  	[tilespmem:v2+s5+$0x0] =	vst.idx.add.f32.msk $0xffff, v56  }
0x176: {  	v2 =	vld [tilespmem:$0x650];
	_ =	sdelay $0x4  }
0x177: {  	v2 =	vadd.s32 v0, v2;
	_ =	sdelay $0x4  }
0x178: {  	[tilespmem:v2+s5+$0x0] =	vst.idx.add.f32.msk $0xffff, v56  }
0x179: {  	v2 =	vld [tilespmem:$0x660];
	_ =	sdelay $0x4  }
0x17a: {  	v2 =	vadd.s32 v0, v2;
	_ =	sdelay $0x4  }
0x17b: {  	[tilespmem:v2+s5+$0x0] =	vst.idx.add.f32.msk $0xffff, v56  }
0x17c: {  	v2 =	vld [tilespmem:$0x670];
	_ =	sdelay $0x4  }
0x17d: {  	v2 =	vadd.s32 v0, v2;
	_ =	sdelay $0x4  }
0x17e: {  	[tilespmem:v2+s5+$0x0] =	vst.idx.add.f32.msk $0xffff, v56  }
0x17f: {  	v2 =	vld [tilespmem:$0x680];
	_ =	sdelay $0x4  }
0x180: {  	v2 =	vadd.s32 v0, v2;
	_ =	sdelay $0x4  }
0x181: {  	[tilespmem:v2+s5+$0x0] =	vst.idx.add.f32.msk $0xffff, v56  }
0x182: {  	v2 =	vld [tilespmem:$0x690];
	_ =	sdelay $0x4  }
0x183: {  	v2 =	vadd.s32 v0, v2;
	_ =	sdelay $0x4  }
0x184: {  	[tilespmem:v2+s5+$0x0] =	vst.idx.add.f32.msk $0xffff, v56  }
0x185: {  	v2 =	vld [tilespmem:$0x6A0];
	_ =	sdelay $0x4  }
0x186: {  	v2 =	vadd.s32 v0, v2;
	_ =	sdelay $0x4  }
0x187: {  	[tilespmem:v2+s5+$0x0] =	vst.idx.add.f32.msk $0xffff, v56  }
0x188: {  	v2 =	vld [tilespmem:$0x6B0];
	_ =	sdelay $0x4  }
0x189: {  	v2 =	vadd.s32 v0, v2;
	_ =	sdelay $0x4  }
0x18a: {  	[tilespmem:v2+s5+$0x0] =	vst.idx.add.f32.msk $0xffff, v56  }
0x18b: {  	v2 =	vld [tilespmem:$0x6C0];
	_ =	sdelay $0x4  }
0x18c: {  	v2 =	vadd.s32 v0, v2;
	_ =	sdelay $0x4  }
0x18d: {  	[tilespmem:v2+s5+$0x0] =	vst.idx.add.f32.msk $0xffff, v56  }
0x18e: {  	v2 =	vld [tilespmem:$0x6D0];
	_ =	sdelay $0x4  }
0x18f: {  	v2 =	vadd.s32 v0, v2;
	_ =	sdelay $0x4  }
0x190: {  	[tilespmem:v2+s5+$0x0] =	vst.idx.add.f32.msk $0xffff, v56  }
0x191: {  	v2 =	vld [tilespmem:$0x6E0];
	_ =	sdelay $0x4  }
0x192: {  	v2 =	vadd.s32 v0, v2;
	_ =	sdelay $0x4  }
0x193: {  	[tilespmem:v2+s5+$0x0] =	vst.idx.add.f32.msk $0xffff, v56  }
0x194: {  	v2 =	vld [tilespmem:$0x6F0];
	_ =	sdelay $0x4  }
0x195: {  	v2 =	vadd.s32 v0, v2;
	_ =	sdelay $0x4  }
0x196: {  	[tilespmem:v2+s5+$0x0] =	vst.idx.add.f32.msk $0xffff, v56  }
0x197: {  	v2 =	vld [tilespmem:$0x700];
	_ =	sdelay $0x4  }
0x198: {  	v2 =	vadd.s32 v0, v2;
	_ =	sdelay $0x4  }
0x199: {  	[tilespmem:v2+s5+$0x0] =	vst.idx.add.f32.msk $0xffff, v56  }
0x19a: {  	v2 =	vld [tilespmem:$0x710];
	_ =	sdelay $0x4  }
0x19b: {  	v2 =	vadd.s32 v0, v2;
	_ =	sdelay $0x4  }
0x19c: {  	[tilespmem:v2+s5+$0x0] =	vst.idx.add.f32.msk $0xffff, v56  }
0x19d: {  	v2 =	vld [tilespmem:$0x720];
	_ =	sdelay $0x4  }
0x19e: {  	v2 =	vadd.s32 v0, v2;
	_ =	sdelay $0x4  }
0x19f: {  	[tilespmem:v2+s5+$0x0] =	vst.idx.add.f32.msk $0xffff, v56  }
0x1a0: {  	v2 =	vld [tilespmem:$0x730];
	_ =	sdelay $0x4  }
0x1a1: {  	v2 =	vadd.s32 v0, v2;
	_ =	sdelay $0x4  }
0x1a2: {  	[tilespmem:v2+s5+$0x0] =	vst.idx.add.f32.msk $0xffff, v56  }
0x1a3: {  	v2 =	vld [tilespmem:$0x740];
	_ =	sdelay $0x4  }
0x1a4: {  	v2 =	vadd.s32 v0, v2;
	_ =	sdelay $0x4  }
0x1a5: {  	[tilespmem:v2+s5+$0x0] =	vst.idx.add.f32.msk $0xffff, v56  }
0x1a6: {  	v2 =	vld [tilespmem:$0x750];
	_ =	sdelay $0x4  }
0x1a7: {  	v2 =	vadd.s32 v0, v2;
	_ =	sdelay $0x4  }
0x1a8: {  	[tilespmem:v2+s5+$0x0] =	vst.idx.add.f32.msk $0xffff, v56  }
0x1a9: {  	v2 =	vld [tilespmem:$0x760];
	_ =	sdelay $0x4  }
0x1aa: {  	v2 =	vadd.s32 v0, v2;
	_ =	sdelay $0x4  }
0x1ab: {  	[tilespmem:v2+s5+$0x0] =	vst.idx.add.f32.msk $0xffff, v56  }
0x1ac: {  	v2 =	vld [tilespmem:$0x770];
	_ =	sdelay $0x4  }
0x1ad: {  	v2 =	vadd.s32 v0, v2;
	_ =	sdelay $0x4  }
0x1ae: {  	[tilespmem:v2+s5+$0x0] =	vst.idx.add.f32.msk $0xffff, v56  }
0x1af: {  	v2 =	vld [tilespmem:$0x780];
	_ =	sdelay $0x4  }
0x1b0: {  	v2 =	vadd.s32 v0, v2;
	_ =	sdelay $0x4  }
0x1b1: {  	[tilespmem:v2+s5+$0x0] =	vst.idx.add.f32.msk $0xffff, v56  }
0x1b2: {  	v2 =	vld [tilespmem:$0x790];
	_ =	sdelay $0x4  }
0x1b3: {  	v2 =	vadd.s32 v0, v2;
	_ =	sdelay $0x4  }
0x1b4: {  	[tilespmem:v2+s5+$0x0] =	vst.idx.add.f32.msk $0xffff, v56  }
0x1b5: {  	v2 =	vld [tilespmem:$0x7A0];
	_ =	sdelay $0x4  }
0x1b6: {  	v2 =	vadd.s32 v0, v2;
	_ =	sdelay $0x4  }
0x1b7: {  	[tilespmem:v2+s5+$0x0] =	vst.idx.add.f32.msk $0xffff, v56  }
0x1b8: {  	v2 =	vld [tilespmem:$0x7B0];
	_ =	sdelay $0x4  }
0x1b9: {  	v2 =	vadd.s32 v0, v2;
	_ =	sdelay $0x4  }
0x1ba: {  	[tilespmem:v2+s5+$0x0] =	vst.idx.add.f32.msk $0xffff, v56  }
0x1bb: {  	v2 =	vld [tilespmem:$0x7C0];
	_ =	sdelay $0x4  }
0x1bc: {  	v2 =	vadd.s32 v0, v2;
	_ =	sdelay $0x4  }
0x1bd: {  	[tilespmem:v2+s5+$0x0] =	vst.idx.add.f32.msk $0xffff, v56  }
0x1be: {  	v2 =	vld [tilespmem:$0x7D0];
	_ =	sdelay $0x4  }
0x1bf: {  	v2 =	vadd.s32 v0, v2;
	_ =	sdelay $0x4  }
0x1c0: {  	[tilespmem:v2+s5+$0x0] =	vst.idx.add.f32.msk $0xffff, v56  }
0x1c1: {  	v2 =	vld [tilespmem:$0x7E0];
	_ =	sdelay $0x4  }
0x1c2: {  	v2 =	vadd.s32 v0, v2;
	_ =	sdelay $0x4  }
0x1c3: {  	[tilespmem:v2+s5+$0x0] =	vst.idx.add.f32.msk $0xffff, v56  }
0x1c4: {  	v2 =	vld [tilespmem:$0x7F0];
	_ =	sdelay $0x4  }
0x1c5: {  	v0 =	vadd.s32 v0, v2;
	_ =	sdelay $0x4  }
0x1c6: {  	[tilespmem:v0+s5+$0x0] =	vst.idx.add.f32.msk $0xffff, v56  }
0x1c7: {  	v0 =	vld [tilespmem:$0x800]  }
0x1c8: {  	v1 =	vld [tilespmem:$0x840]  }
0x1c9: {  	v57 =	vld [tilespmem:$0x880]  }
0x1ca: {  	v3 =	vld [tilespmem:$0x8C0]  }
0x1cb: {  	v4 =	vld [tilespmem:$0x900]  }
0x1cc: {  	v5 =	vld [tilespmem:$0x940]  }
0x1cd: {  	v6 =	vld [tilespmem:$0x980]  }
0x1ce: {  	v7 =	vld [tilespmem:$0x9C0]  }
0x1cf: {  	v8 =	vld [tilespmem:$0xA00]  }
0x1d0: {  	v9 =	vld [tilespmem:$0xA40]  }
0x1d1: {  	v10 =	vld [tilespmem:$0xA80]  }
0x1d2: {  	v11 =	vld [tilespmem:$0xAC0]  }
0x1d3: {  	v12 =	vld [tilespmem:$0xB00]  }
0x1d4: {  	v13 =	vld [tilespmem:$0xB40]  }
0x1d5: {  	v14 =	vld [tilespmem:$0xB80]  }
0x1d6: {  	v15 =	vld [tilespmem:$0xBC0]  }
0x1d7: {  	v16 =	vld [tilespmem:$0x810]  }
0x1d8: {  	v17 =	vld [tilespmem:$0x850]  }
0x1d9: {  	v18 =	vld [tilespmem:$0x890]  }
0x1da: {  	v19 =	vld [tilespmem:$0x8D0]  }
0x1db: {  	v20 =	vld [tilespmem:$0x910]  }
0x1dc: {  	v21 =	vld [tilespmem:$0x950]  }
0x1dd: {  	v22 =	vld [tilespmem:$0x990]  }
0x1de: {  	v23 =	vld [tilespmem:$0x9D0]  }
0x1df: {  	v24 =	vld [tilespmem:$0xA10]  }
0x1e0: {  	v25 =	vld [tilespmem:$0xA50]  }
0x1e1: {  	v26 =	vld [tilespmem:$0xA90]  }
0x1e2: {  	v27 =	vld [tilespmem:$0xAD0]  }
0x1e3: {  	v28 =	vld [tilespmem:$0xB10]  }
0x1e4: {  	v29 =	vld [tilespmem:$0xB50]  }
0x1e5: {  	v30 =	vld [tilespmem:$0xB90]  }
0x1e6: {  	v31 =	vld [tilespmem:$0xBD0]  }
0x1e7: {  	v32 =	vld [tilespmem:$0x820]  }
0x1e8: {  	v33 =	vld [tilespmem:$0x830]  }
0x1e9: {  	v34 =	vld [tilespmem:$0x860]  }
0x1ea: {  	v35 =	vld [tilespmem:$0x870];
	v0 =	vadd.f32 $0.0e+00, v0  }
0x1eb: {  	v36 =	vld [tilespmem:$0x8A0];
	v16 =	vadd.f32 $0.0e+00, v16  }
0x1ec: {  	v59 =	vld [tilespmem:$0x8B0];
	v58 =	vadd.f32 $0.0e+00, v32;
	v0 =	vadd.f32 v1, v0  }
0x1ed: {  	v60 =	vld [tilespmem:$0x8E0];
	v33 =	vadd.f32 $0.0e+00, v33;
	v16 =	vadd.f32 v17, v16  }
0x1ee: {  	v61 =	vld [tilespmem:$0x8F0];
	v1 =	vadd.f32 v34, v58;
	v0 =	vadd.f32 v57, v0  }
0x1ef: {  	v63 =	vld [tilespmem:$0x920];
	v62 =	vadd.f32 v35, v33;
	v16 =	vadd.f32 v18, v16  }
0x1f0: {  	v37 =	vld [tilespmem:$0x930];
	v1 =	vadd.f32 v36, v1;
	v0 =	vadd.f32 v3, v0  }
0x1f1: {  	v38 =	vld [tilespmem:$0x960];
	v18 =	vadd.f32 v59, v62;
	v16 =	vadd.f32 v19, v16  }
0x1f2: {  	v39 =	vld [tilespmem:$0x970];
	v1 =	vadd.f32 v60, v1;
	v0 =	vadd.f32 v4, v0  }
0x1f3: {  	v40 =	vld [tilespmem:$0x9A0];
	v2 =	vadd.f32 v61, v18;
	v16 =	vadd.f32 v20, v16  }
0x1f4: {  	v41 =	vld [tilespmem:$0x9B0];
	v1 =	vadd.f32 v63, v1;
	v0 =	vadd.f32 v5, v0  }
0x1f5: {  	v42 =	vld [tilespmem:$0x9E0];
	v2 =	vadd.f32 v37, v2;
	v16 =	vadd.f32 v21, v16  }
0x1f6: {  	v43 =	vld [tilespmem:$0x9F0];
	v1 =	vadd.f32 v38, v1;
	v0 =	vadd.f32 v6, v0  }
0x1f7: {  	v44 =	vld [tilespmem:$0xA20];
	v2 =	vadd.f32 v39, v2;
	v16 =	vadd.f32 v22, v16  }
0x1f8: {  	v45 =	vld [tilespmem:$0xA30];
	v1 =	vadd.f32 v40, v1;
	v0 =	vadd.f32 v7, v0  }
0x1f9: {  	v46 =	vld [tilespmem:$0xA60];
	v2 =	vadd.f32 v41, v2;
	v16 =	vadd.f32 v23, v16  }
0x1fa: {  	v47 =	vld [tilespmem:$0xA70];
	v1 =	vadd.f32 v42, v1;
	v0 =	vadd.f32 v8, v0  }
0x1fb: {  	v49 =	vld [tilespmem:$0xAA0];
	v2 =	vadd.f32 v43, v2;
	v48 =	vadd.f32 v24, v16  }
0x1fc: {  	v50 =	vld [tilespmem:$0xAB0];
	v1 =	vadd.f32 v44, v1;
	v0 =	vadd.f32 v9, v0  }
0x1fd: {  	v51 =	vld [tilespmem:$0xAE0];
	v2 =	vadd.f32 v45, v2;
	v8 =	vadd.f32 v25, v48  }
0x1fe: {  	v52 =	vld [tilespmem:$0xAF0];
	v1 =	vadd.f32 v46, v1;
	v0 =	vadd.f32 v10, v0  }
0x1ff: {  	v53 =	vld [tilespmem:$0xB20];
	v2 =	vadd.f32 v47, v2;
	v8 =	vadd.f32 v26, v8  }
0x200: {  	v54 =	vld [tilespmem:$0xB30];
	v1 =	vadd.f32 v49, v1;
	v0 =	vadd.f32 v11, v0  }
0x201: {  	v55 =	vld [tilespmem:$0xB60];
	v2 =	vadd.f32 v50, v2;
	v8 =	vadd.f32 v27, v8  }
0x202: {  	v56 =	vld [tilespmem:$0xB70];
	v1 =	vadd.f32 v51, v1;
	v0 =	vadd.f32 v12, v0  }
0x203: {  	v57 =	vld [tilespmem:$0xBA0];
	v2 =	vadd.f32 v52, v2;
	v8 =	vadd.f32 v28, v8  }
0x204: {  	v58 =	vld [tilespmem:$0xBB0];
	v1 =	vadd.f32 v53, v1;
	v0 =	vadd.f32 v13, v0  }
0x205: {  	v59 =	vld [tilespmem:$0xBE0];
	v2 =	vadd.f32 v54, v2;
	v8 =	vadd.f32 v29, v8  }
0x206: {  	v60 =	vld [tilespmem:$0xBF0];
	v1 =	vadd.f32 v55, v1;
	v0 =	vadd.f32 v14, v0  }
0x207: {  	v2 =	vadd.f32 v56, v2;
	v8 =	vadd.f32 v30, v8  }
0x208: {  	v1 =	vadd.f32 v57, v1;
	v0 =	vadd.f32 v15, v0  }
0x209: {  	v2 =	vadd.f32 v58, v2;
	v61 =	vadd.f32 v31, v8  }
0x20a: {  	v62 =	vadd.f32 v59, v1;
	[tilespmem:$0xC00] =	vst v0  }
0x20b: {  	s30 =	sshll.u32 s1, $0x3;
	v63 =	vadd.f32 v60, v2;
	[tilespmem:$0xC10] =	vst v61  }
0x20c: {  	s3 =	sadd.s32 s30, s3;
	[tilespmem:$0xC20] =	vst v62  }
0x20d: {  	s31 =	simm.s32 $0xC00;
	s3 =	sadd.s32 $0x1600, s3;
	[tilespmem:$0xC30] =	vst v63  }
0x20e: {  	[hbm4b:s3+s2] =	stream.linear.scatter [tilespmem:s31], [sflag:$0x1], $0x40, $0x38;
	[tilespmem:$0xC80] =	vst v63  }
0x20f: {  	_ =	swait.ge [sflag:s29], $0x40  }
0x210: {  	[sflag:s29] =	ssyncset.done $0x0  }
0x211: {  	[sflag:s29] =	ssyncadd.s32 $0xFFFFFFC0  }
0x212: {  	_ =	sfence.sel $0x180000  }
0x213: {  	[bflag:$0x0] =	sbarrier.arrive $0xFFFF  }
0x214: {  	p0 =	sne.s32 s1, $0x0;
	_ =	strace $0x90000047  }
0x215: {  	s0 =	sadd.s32 @!p0 $0x100000, s0;
	[bflag:$0x2] =	sbarrier.arrive $0xFFFF  }
0x216: {  	[sflag:s0] =	ssyncadd.tile.s32 @!p0 $0x1;
	_ =	shalt  }
.Lfunc_end2:
_tile_overlayer_lowered:
.L_overlay_start_2:
0x217: {  	(tag) =	ssettag $0x2  }
0x218: {  	s0 =	rddreg [dreg:$0x0];
	s2 =	stileid.u32  }
0x219: {  	s1 =	rddreg [dreg:$0x1];
	p0 =	sne.s32 s2, $0x0  }
0x21a: {  	s3 =	rddreg [dreg:$0x2];
	[bflag:$0x3] =	sbarrier.arrive $0xFFFF;
	s2 =	simm.s32 @!p0 $0x1C01  }
0x21b: {  	[timem:s3], [sflag:s2] =	dma.local @!p0 [hbm:s0], s1  }
0x21c: {  	s0 =	simm.s32 @!p0 $0x1  }
0x21d: {  	_ =	swait.ge @!p0 [sflag:s0], s1  }
0x21e: {  	s1 =	ssub.s32 @!p0 $0x0, s1;
	[sflag:s0] =	ssyncset.done @!p0 $0x0  }
0x21f: {  	[sflag:s0] =	ssyncadd.s32 @!p0 s1  }
0x220: {  	[bflag:$0x3] =	sbarrier.arrive $0xFFFF  }
0x221: {  	_ =	shalt  }

</sc_bundles>
